<compile_context>
chip_gen: v7x
topology: tpu7x:2x2x1
jax: 0.10.2.dev20260603
libtpu: 0.0.44.dev20260713+nightly
codegen_flags: <defaults>
</compile_context>

<pallas_src>
import functools

import jax
import jax.numpy as jnp
from jax import lax
from jax.experimental import pallas as pl
from jax.experimental.pallas import tpu as pltpu
from jax.experimental.pallas import tpu_sc as plsc

_NC = 2
_NS = 16
_LANES = 16


def _sc_phase(cg, nf, shock):
    n, h = nf.shape
    k = shock.shape[0]

    mesh = plsc.VectorSubcoreMesh(
        core_axis_name="c", subcore_axis_name="s",
        num_cores=_NC, num_subcores=_NS,
    )

    @functools.partial(
        pl.kernel,
        out_type=[
            jax.ShapeDtypeStruct((k, n), jnp.float32),
            jax.ShapeDtypeStruct((k, h), jnp.float32),
        ],
        mesh=mesh,
        scratch_types=[
            pltpu.VMEM((1,), jnp.int32),
            pltpu.VMEM((k,), jnp.int32),
            pltpu.VMEM((1, n), jnp.float32),
            pltpu.VMEM((k, h), jnp.float32),
            pltpu.SemaphoreType.DMA,
        ],
    )
    def sc(cg_hbm, nf_hbm, shock_hbm, shock2_hbm, wsub_o, nfs_o,
           idx1, idxk, row, nfsv, sem):
        wid = lax.axis_index("s") * _NC + lax.axis_index("c")

        @pl.when(wid < k)
        def _():
            pltpu.sync_copy(shock2_hbm.at[wid], idx1)
            pltpu.async_copy(cg_hbm.at[idx1], row, sem).wait()
            pltpu.sync_copy(row, wsub_o.at[pl.ds(wid, 1)])

        @pl.when(wid == k)
        def _():
            pltpu.sync_copy(shock_hbm, idxk)
            pltpu.async_copy(nf_hbm.at[idxk], nfsv, sem).wait()
            pltpu.sync_copy(nfsv, nfs_o)

    return sc(cg, nf, shock, shock[:, None])


def _tc_body(nf_ref, wsub_ref, nfs_ref, f0r_ref, sh_ref,
             w1at_ref, w1bt_ref, uu_ref, vv_ref, cc_ref,
             w2t_ref, b2_ref, w3_ref, b3_ref,
             np_ref, ar_ref, na_ref):
    nf = nf_ref[...]
    nfs = nfs_ref[...]
    dimn = (((1,), (1,)), ((), ()))
    nfb = nf.astype(jnp.bfloat16)
    bmt = lax.dot_general(w1bt_ref[...].astype(jnp.bfloat16), nfb, dimn,
                          preferred_element_type=jnp.float32)
    amt = lax.dot_general(w1at_ref[...], nfs, dimn,
                          preferred_element_type=jnp.float32)
    f0r = f0r_ref[...]
    uu = uu_ref[...]
    vv = vv_ref[...]
    base = bmt + cc_ref[...]
    w2tb = w2t_ref[...].astype(jnp.bfloat16)
    b2c = b2_ref[...]
    w3c = w3_ref[...]
    b3 = b3_ref[0, 0]
    n = nf.shape[0]
    k = nfs.shape[0]

    best = jnp.zeros((1, n), jnp.float32)
    ones = jnp.ones((1, n), jnp.float32)
    for i in range(k):
        wrow = wsub_ref[i:i + 1, :]
        d = jnp.abs(f0r - nfs[i, 0])
        ext = jnp.concatenate([wrow, d, ones], axis=0)
        small = jnp.concatenate([uu, vv, amt[:, i:i + 1]], axis=1)
        pre = base + jnp.dot(small, ext, preferred_element_type=jnp.float32)
        h1 = jnp.maximum(pre, 0.0).astype(jnp.bfloat16)
        h2 = jnp.dot(w2tb, h1, preferred_element_type=jnp.float32) + b2c
        h2 = jnp.maximum(h2, 0.0)
        s = jnp.sum(h2 * w3c, axis=0, keepdims=True) + b3
        best = jnp.maximum(best, jax.nn.sigmoid(s) * wrow)

    jcol = lax.broadcasted_iota(jnp.int32, (1, n), 1)
    is_shock = jnp.any(jcol == sh_ref[...], axis=0, keepdims=True)
    p0 = jnp.where(is_shock, 1.0, 0.0)
    a0 = jnp.where(is_shock, 0.0, jnp.inf)
    newp = jnp.maximum(p0, best)
    np_ref[...] = newp
    ar_ref[...] = jnp.where(best > p0, jnp.minimum(a0, 1.0), a0)
    na_ref[...] = jnp.sum((newp > 0.1).astype(jnp.int32)).reshape(1, 1)


def _tc_phase(nf, wsub, nfs, f0r, sh, w1at, w1bt, uu, vv, cc, w2t, b2c, w3c, b3):
    n = nf.shape[0]
    return pl.pallas_call(
        _tc_body,
        out_shape=[
            jax.ShapeDtypeStruct((1, n), jnp.float32),
            jax.ShapeDtypeStruct((1, n), jnp.float32),
            jax.ShapeDtypeStruct((1, 1), jnp.int32),
        ],
    )(nf, wsub, nfs, f0r, sh, w1at, w1bt, uu, vv, cc, w2t, b2c, w3c, b3)


def kernel(causal_graph, node_features, shock_nodes, W1, b1, W2, b2, W3, b3):
    n, h = node_features.shape

    wsub, nfs = _sc_phase(causal_graph, node_features, shock_nodes)

    w1at = W1[:h].T
    w1bt = W1[h:2 * h].T
    uu = W1[2 * h][:, None]
    vv = W1[2 * h + 3][:, None]
    cc = (b1 + W1[2 * h + 1])[:, None]

    newp, arr, naff = _tc_phase(
        node_features, wsub, nfs,
        node_features[:, 0][None, :], shock_nodes[:, None],
        w1at, w1bt, uu, vv, cc,
        W2.T, b2[:, None], W3, b3.reshape(1, 1),
    )
    return newp.reshape(n), arr.reshape(n), naff[0, 0]

# --- scband reference (transcript-rebuilt; emitter-appended) ---
"""Pipeline reference for scband-causal-contagion-predictor-4329327035072 (READ-ONLY COPY).

The authoritative reference and input builder live on the scoring server;
editing this copy changes nothing except your own understanding.
"""

import jax, jax.numpy as jnp
import numpy as np

N = 4096
H = 128
AVG_DEG = 32
N_SHOCK = 16


def _linear_params(k, fan_in, fan_out):
    bound = 1.0 / np.sqrt(fan_in)
    kw, kb = jax.random.split(k)
    W = jax.random.uniform(kw, (fan_in, fan_out), minval=-bound, maxval=bound, dtype=jnp.float32)
    b = jax.random.uniform(kb, (fan_out,), minval=-bound, maxval=bound, dtype=jnp.float32)
    return W, b


def setup_inputs(seed: int = 0) -> dict:
    key = jax.random.key(seed)
    ks = jax.random.split(key, 8)
    dense = jax.random.uniform(ks[0], (N, N), dtype=jnp.float32)
    mask = jax.random.uniform(ks[1], (N, N)) < (AVG_DEG / N)
    causal_graph = jnp.where(mask, dense, 0.0)
    node_features = jax.random.normal(ks[2], (N, H), dtype=jnp.float32)
    shock_nodes = jax.random.randint(ks[3], (N_SHOCK,), 0, N, dtype=jnp.int32)
    d_in = 2 * H + 4
    W1, b1 = _linear_params(ks[4], d_in, H)
    W2, b2 = _linear_params(ks[5], H, 32)
    W3, b3 = _linear_params(ks[6], 32, 1)
    return {"causal_graph": causal_graph, "node_features": node_features, "shock_nodes": shock_nodes,
            "W1": W1, "b1": b1, "W2": W2, "b2": b2, "W3": W3, "b3": b3}


def reference(causal_graph, node_features, shock_nodes, W1, b1, W2, b2, W3, b3):
    n = causal_graph.shape[0]
    probs = jnp.zeros((n,), jnp.float32).at[shock_nodes].set(1.0)
    arrival = jnp.full((n,), jnp.inf, dtype=jnp.float32).at[shock_nodes].set(0.0)
    max_steps = 10
    step = 0  # the original torch loop always breaks after the first iteration

    def row_fn(i, best):
        w = causal_graph[i]
        sf = jnp.broadcast_to(node_features[i], node_features.shape)
        tf = node_features
        ef = jnp.stack([
            w,
            jnp.broadcast_to(probs[i], w.shape),
            jnp.full_like(w, step / max_steps),
            jnp.abs(sf[:, 0] - tf[:, 0]),
        ], axis=1)
        x = jnp.concatenate([sf, tf, ef], axis=1)
        h = jax.nn.relu(x @ W1 + b1)
        h = jax.nn.relu(h @ W2 + b2)
        trans = jax.nn.sigmoid(h @ W3 + b3)[:, 0]
        cand = probs[i] * trans * w
        return jnp.maximum(best, cand)

    # sequential per-edge 'if new_prob > new_contagion_probs[j]' == scatter-max by dst
    best = jax.lax.fori_loop(0, n, row_fn, jnp.zeros((n,), jnp.float32))
    new_probs = jnp.maximum(probs, best)
    improved = best > probs
    arrival = jnp.where(improved, jnp.minimum(arrival, float(step + 1)), arrival)
    num_affected = jnp.sum(new_probs > 0.1)
    return new_probs, arrival, num_affected

if __name__ == "__main__":
    import jax
    _d = setup_inputs()
    print(jax.jit(kernel)(*tuple(_d.values())))

</pallas_src>

<mosaic_0001>
#map = affine_map<(d0, d1) -> (0, 0)>
#map1 = affine_map<(d0, d1) -> (0)>
module attributes {stable_mosaic.version = 14 : i64} {
  func.func @sc(%arg0: i32, %arg1: i32, %arg2: memref<4096x4096xf32, #tpu.memory_space<hbm>>, %arg3: memref<4096x128xf32, #tpu.memory_space<hbm>>, %arg4: memref<16xi32, #tpu.memory_space<hbm>>, %arg5: memref<16x1xi32, #tpu.memory_space<hbm>>, %arg6: memref<16x4096xf32, #tpu.memory_space<hbm>>, %arg7: memref<16x128xf32, #tpu.memory_space<hbm>>, %arg8: memref<1xi32, #tpu.memory_space<vmem>>, %arg9: memref<16xi32, #tpu.memory_space<vmem>>, %arg10: memref<1x4096xf32, #tpu.memory_space<vmem>>, %arg11: memref<16x128xf32, #tpu.memory_space<vmem>>, %arg12: memref<!tpu.dma_semaphore, #tpu.memory_space<semaphore_mem>>) attributes {dimension_semantics = [#tpu.dimension_semantics<core_parallel>, #tpu.dimension_semantics<subcore_parallel>], iteration_bounds = array<i64: 2, 16>, scalar_prefetch = 0 : i64, scratch_operands = 5 : i64, tpu.core_type = #tpu.core_type<sc_vector_subcore>, window_params = [{transform_indices = #map}, {transform_indices = #map}, {transform_indices = #map1}, {transform_indices = #map}, {transform_indices = #map}, {transform_indices = #map}]} {
    %mul3A = arith.constant 2 : i32
    %mul3A_0 = arith.muli %arg1, %mul3A : i32
    %add3A = arith.addi %mul3A_0, %arg0 : i32
    %lt3A = arith.constant 16 : i32
    %lt3A_1 = arith.cmpi slt, %add3A, %lt3A : i32
    %convert_element_type3A = arith.extui %lt3A_1 : i1 to i32
    %cond3A = arith.constant 0 : i32
    %cond3A_2 = arith.cmpi ne, %convert_element_type3A, %cond3A : i32
    scf.if %cond3A_2 {
      "tpu.region"() ({
        %run_scoped3A = tpu.sem_alloc : memref<!tpu.dma_semaphore, #tpu.memory_space<semaphore_mem>>
        %dma_start3A_11 = arith.constant 0 : i32
        %dma_start3A_12 = tpu.memref_slice %arg5[%add3A, %dma_start3A_11] : memref<16x1xi32, #tpu.memory_space<hbm>> -> memref<1x1xi32, #tpu.memory_space<hbm>>
        %dma_start3A_13 = tpu.memref_squeeze %dma_start3A_12 : memref<1x1xi32, #tpu.memory_space<hbm>> -> memref<1xi32, #tpu.memory_space<hbm>>
        %dma_start3A_14 = arith.constant 0 : i32
        %dma_start3A_15 = tpu.memref_slice %arg5[%add3A, %dma_start3A_14] : memref<16x1xi32, #tpu.memory_space<hbm>> -> memref<1x1xi32, #tpu.memory_space<hbm>>
        %dma_start3A_16 = tpu.memref_squeeze %dma_start3A_15 : memref<1x1xi32, #tpu.memory_space<hbm>> -> memref<1xi32, #tpu.memory_space<hbm>>
        tpu.enqueue_dma source(%dma_start3A_16 : memref<1xi32, #tpu.memory_space<hbm>>) target(%arg8 : memref<1xi32, #tpu.memory_space<vmem>>) target_semaphore(%run_scoped3A : memref<!tpu.dma_semaphore, #tpu.memory_space<semaphore_mem>>)
        %dma_wait3A_17 = arith.constant 0 : i32
        %dma_wait3A_18 = tpu.memref_slice %arg5[%add3A, %dma_wait3A_17] : memref<16x1xi32, #tpu.memory_space<hbm>> -> memref<1x1xi32, #tpu.memory_space<hbm>>
        %dma_wait3A_19 = tpu.memref_squeeze %dma_wait3A_18 : memref<1x1xi32, #tpu.memory_space<hbm>> -> memref<1xi32, #tpu.memory_space<hbm>>
        %dma_wait3A_20 = arith.constant 0 : i32
        %dma_wait3A_21 = tpu.memref_slice %arg5[%add3A, %dma_wait3A_20] : memref<16x1xi32, #tpu.memory_space<hbm>> -> memref<1x1xi32, #tpu.memory_space<hbm>>
        %dma_wait3A_22 = tpu.memref_squeeze %dma_wait3A_21 : memref<1x1xi32, #tpu.memory_space<hbm>> -> memref<1xi32, #tpu.memory_space<hbm>>
        tpu.wait_dma2 semaphore(%run_scoped3A : memref<!tpu.dma_semaphore, #tpu.memory_space<semaphore_mem>>) src(%dma_wait3A_22 : memref<1xi32, #tpu.memory_space<hbm>>) dst(%arg8 : memref<1xi32, #tpu.memory_space<vmem>>)
        tpu.yield
      }) : () -> ()
      %dma_start3A = arith.constant 0 : i32
      %dma_start3A_7 = arith.constant 0 : i32
      %dma_start3A_8 = tpu.memref_slice %arg2[%dma_start3A, %dma_start3A_7] : memref<4096x4096xf32, #tpu.memory_space<hbm>> -> memref<4096x4096xf32, #tpu.memory_space<hbm>>
      tpu.enqueue_indirect_dma source(%dma_start3A_8 : memref<4096x4096xf32, #tpu.memory_space<hbm>>) target(%arg10 : memref<1x4096xf32, #tpu.memory_space<vmem>>) offsets(%arg8 : memref<1xi32, #tpu.memory_space<vmem>>) semaphore(%arg12 : memref<!tpu.dma_semaphore, #tpu.memory_space<semaphore_mem>>)
      %dma_wait3A = arith.constant 0 : i32
      %dma_wait3A_9 = arith.constant 0 : i32
      %dma_wait3A_10 = tpu.memref_slice %arg2[%dma_wait3A, %dma_wait3A_9] : memref<4096x4096xf32, #tpu.memory_space<hbm>> -> memref<4096x4096xf32, #tpu.memory_space<hbm>>
      tpu.wait_indirect_dma semaphore(%arg12 : memref<!tpu.dma_semaphore, #tpu.memory_space<semaphore_mem>>) src(%dma_wait3A_10 : memref<4096x4096xf32, #tpu.memory_space<hbm>>) dst(%arg10 : memref<1x4096xf32, #tpu.memory_space<vmem>>)
      "tpu.region"() ({
        %run_scoped3A = tpu.sem_alloc : memref<!tpu.dma_semaphore, #tpu.memory_space<semaphore_mem>>
        %dma_start3A_11 = arith.constant 0 : i32
        %dma_start3A_12 = tpu.memref_slice %arg6[%add3A, %dma_start3A_11] : memref<16x4096xf32, #tpu.memory_space<hbm>> -> memref<1x4096xf32, #tpu.memory_space<hbm>>
        %dma_start3A_13 = arith.constant 0 : i32
        %dma_start3A_14 = tpu.memref_slice %arg6[%add3A, %dma_start3A_13] : memref<16x4096xf32, #tpu.memory_space<hbm>> -> memref<1x4096xf32, #tpu.memory_space<hbm>>
        tpu.enqueue_dma source(%arg10 : memref<1x4096xf32, #tpu.memory_space<vmem>>) target(%dma_start3A_14 : memref<1x4096xf32, #tpu.memory_space<hbm>>) target_semaphore(%run_scoped3A : memref<!tpu.dma_semaphore, #tpu.memory_space<semaphore_mem>>)
        %dma_wait3A_15 = arith.constant 0 : i32
        %dma_wait3A_16 = tpu.memref_slice %arg6[%add3A, %dma_wait3A_15] : memref<16x4096xf32, #tpu.memory_space<hbm>> -> memref<1x4096xf32, #tpu.memory_space<hbm>>
        %dma_wait3A_17 = arith.constant 0 : i32
        %dma_wait3A_18 = tpu.memref_slice %arg6[%add3A, %dma_wait3A_17] : memref<16x4096xf32, #tpu.memory_space<hbm>> -> memref<1x4096xf32, #tpu.memory_space<hbm>>
        tpu.wait_dma2 semaphore(%run_scoped3A : memref<!tpu.dma_semaphore, #tpu.memory_space<semaphore_mem>>) src(%arg10 : memref<1x4096xf32, #tpu.memory_space<vmem>>) dst(%dma_wait3A_18 : memref<1x4096xf32, #tpu.memory_space<hbm>>)
        tpu.yield
      }) : () -> ()
    } else {
    }
    %eq3A = arith.constant 16 : i32
    %eq3A_3 = arith.cmpi eq, %add3A, %eq3A : i32
    %convert_element_type3A_4 = arith.extui %eq3A_3 : i1 to i32
    %cond3A_5 = arith.constant 0 : i32
    %cond3A_6 = arith.cmpi ne, %convert_element_type3A_4, %cond3A_5 : i32
    scf.if %cond3A_6 {
      "tpu.region"() ({
        %run_scoped3A = tpu.sem_alloc : memref<!tpu.dma_semaphore, #tpu.memory_space<semaphore_mem>>
        tpu.enqueue_dma source(%arg4 : memref<16xi32, #tpu.memory_space<hbm>>) target(%arg9 : memref<16xi32, #tpu.memory_space<vmem>>) target_semaphore(%run_scoped3A : memref<!tpu.dma_semaphore, #tpu.memory_space<semaphore_mem>>)
        tpu.wait_dma2 semaphore(%run_scoped3A : memref<!tpu.dma_semaphore, #tpu.memory_space<semaphore_mem>>) src(%arg4 : memref<16xi32, #tpu.memory_space<hbm>>) dst(%arg9 : memref<16xi32, #tpu.memory_space<vmem>>)
        tpu.yield
      }) : () -> ()
      %dma_start3A = arith.constant 0 : i32
      %dma_start3A_7 = arith.constant 0 : i32
      %dma_start3A_8 = tpu.memref_slice %arg3[%dma_start3A, %dma_start3A_7] : memref<4096x128xf32, #tpu.memory_space<hbm>> -> memref<4096x128xf32, #tpu.memory_space<hbm>>
      tpu.enqueue_indirect_dma source(%dma_start3A_8 : memref<4096x128xf32, #tpu.memory_space<hbm>>) target(%arg11 : memref<16x128xf32, #tpu.memory_space<vmem>>) offsets(%arg9 : memref<16xi32, #tpu.memory_space<vmem>>) semaphore(%arg12 : memref<!tpu.dma_semaphore, #tpu.memory_space<semaphore_mem>>)
      %dma_wait3A = arith.constant 0 : i32
      %dma_wait3A_9 = arith.constant 0 : i32
      %dma_wait3A_10 = tpu.memref_slice %arg3[%dma_wait3A, %dma_wait3A_9] : memref<4096x128xf32, #tpu.memory_space<hbm>> -> memref<4096x128xf32, #tpu.memory_space<hbm>>
      tpu.wait_indirect_dma semaphore(%arg12 : memref<!tpu.dma_semaphore, #tpu.memory_space<semaphore_mem>>) src(%dma_wait3A_10 : memref<4096x128xf32, #tpu.memory_space<hbm>>) dst(%arg11 : memref<16x128xf32, #tpu.memory_space<vmem>>)
      "tpu.region"() ({
        %run_scoped3A = tpu.sem_alloc : memref<!tpu.dma_semaphore, #tpu.memory_space<semaphore_mem>>
        tpu.enqueue_dma source(%arg11 : memref<16x128xf32, #tpu.memory_space<vmem>>) target(%arg7 : memref<16x128xf32, #tpu.memory_space<hbm>>) target_semaphore(%run_scoped3A : memref<!tpu.dma_semaphore, #tpu.memory_space<semaphore_mem>>)
        tpu.wait_dma2 semaphore(%run_scoped3A : memref<!tpu.dma_semaphore, #tpu.memory_space<semaphore_mem>>) src(%arg11 : memref<16x128xf32, #tpu.memory_space<vmem>>) dst(%arg7 : memref<16x128xf32, #tpu.memory_space<hbm>>)
        tpu.yield
      }) : () -> ()
    } else {
    }
    return
  }
}

module attributes {stable_mosaic.version = 14 : i64} {
  func.func @_tc_body(%arg0: memref<4096x128xf32, #tpu.memory_space<vmem>>, %arg1: memref<16x4096xf32, #tpu.memory_space<vmem>>, %arg2: memref<16x128xf32, #tpu.memory_space<vmem>>, %arg3: memref<1x4096xf32, #tpu.memory_space<vmem>>, %arg4: memref<16x1xi32, #tpu.memory_space<vmem>>, %arg5: memref<128x128xf32, #tpu.memory_space<vmem>>, %arg6: memref<128x128xf32, #tpu.memory_space<vmem>>, %arg7: memref<128x1xf32, #tpu.memory_space<vmem>>, %arg8: memref<128x1xf32, #tpu.memory_space<vmem>>, %arg9: memref<128x1xf32, #tpu.memory_space<vmem>>, %arg10: memref<32x128xf32, #tpu.memory_space<vmem>>, %arg11: memref<32x1xf32, #tpu.memory_space<vmem>>, %arg12: memref<32x1xf32, #tpu.memory_space<vmem>>, %arg13: memref<1x1xf32, #tpu.memory_space<vmem>>, %arg14: memref<1x4096xf32, #tpu.memory_space<vmem>>, %arg15: memref<1x4096xf32, #tpu.memory_space<vmem>>, %arg16: memref<1x1xi32, #tpu.memory_space<vmem>>) attributes {dimension_semantics = [], scalar_prefetch = 0 : i64, scratch_operands = 0 : i64, tpu.core_type = #tpu.core_type<tc>} {
    %get3A = arith.constant 0 : index
    %get3A_0 = arith.constant 0 : index
    %get3A_1 = vector.load %arg0[%get3A, %get3A_0] : memref<4096x128xf32, #tpu.memory_space<vmem>>, vector<4096x128xf32>
    %get3A_2 = arith.constant 0 : index
    %get3A_3 = arith.constant 0 : index
    %get3A_4 = vector.load %arg2[%get3A_2, %get3A_3] : memref<16x128xf32, #tpu.memory_space<vmem>>, vector<16x128xf32>
    %convert_element_type3A = arith.truncf %get3A_1 : vector<4096x128xf32> to vector<4096x128xbf16>
    %get3A_5 = arith.constant 0 : index
    %get3A_6 = arith.constant 0 : index
    %get3A_7 = vector.load %arg6[%get3A_5, %get3A_6] : memref<128x128xf32, #tpu.memory_space<vmem>>, vector<128x128xf32>
    %convert_element_type3A_8 = arith.truncf %get3A_7 : vector<128x128xf32> to vector<128x128xbf16>
    %dot_general3A = arith.constant dense<0.000000e+00> : vector<128x4096xf32>
    %dot_general3A_9 = tpu.matmul %convert_element_type3A_8, %convert_element_type3A, %dot_general3A {dimension_numbers = #tpu.dot_dimension_numbers<[1], [1], [0], [0], [0, 0, 1, 0], [], []>, transpose_lhs_hint = false} : vector<128x128xbf16>, vector<4096x128xbf16>, vector<128x4096xf32> -> vector<128x4096xf32>
    %get3A_10 = arith.constant 0 : index
    %get3A_11 = arith.constant 0 : index
    %get3A_12 = vector.load %arg5[%get3A_10, %get3A_11] : memref<128x128xf32, #tpu.memory_space<vmem>>, vector<128x128xf32>
    %dot_general3A_13 = arith.constant dense<0.000000e+00> : vector<128x16xf32>
    %dot_general3A_14 = tpu.matmul %get3A_12, %get3A_4, %dot_general3A_13 {dimension_numbers = #tpu.dot_dimension_numbers<[1], [1], [0], [0], [0, 0, 1, 0], [], []>, transpose_lhs_hint = false} : vector<128x128xf32>, vector<16x128xf32>, vector<128x16xf32> -> vector<128x16xf32>
    %get3A_15 = arith.constant 0 : index
    %get3A_16 = arith.constant 0 : index
    %get3A_17 = vector.load %arg3[%get3A_15, %get3A_16] : memref<1x4096xf32, #tpu.memory_space<vmem>>, vector<1x4096xf32>
    %get3A_18 = arith.constant 0 : index
    %get3A_19 = arith.constant 0 : index
    %get3A_20 = vector.load %arg7[%get3A_18, %get3A_19] : memref<128x1xf32, #tpu.memory_space<vmem>>, vector<128x1xf32>
    %get3A_21 = arith.constant 0 : index
    %get3A_22 = arith.constant 0 : index
    %get3A_23 = vector.load %arg8[%get3A_21, %get3A_22] : memref<128x1xf32, #tpu.memory_space<vmem>>, vector<128x1xf32>
    %get3A_24 = arith.constant 0 : index
    %get3A_25 = arith.constant 0 : index
    %get3A_26 = vector.load %arg9[%get3A_24, %get3A_25] : memref<128x1xf32, #tpu.memory_space<vmem>>, vector<128x1xf32>
    %add3A = vector.broadcast %get3A_26 : vector<128x1xf32> to vector<128x4096xf32>
    %add3A_27 = arith.addf %dot_general3A_9, %add3A : vector<128x4096xf32>
    %get3A_28 = arith.constant 0 : index
    %get3A_29 = arith.constant 0 : index
    %get3A_30 = vector.load %arg10[%get3A_28, %get3A_29] : memref<32x128xf32, #tpu.memory_space<vmem>>, vector<32x128xf32>
    %convert_element_type3A_31 = arith.truncf %get3A_30 : vector<32x128xf32> to vector<32x128xbf16>
    %get3A_32 = arith.constant 0 : index
    %get3A_33 = arith.constant 0 : index
    %get3A_34 = vector.load %arg11[%get3A_32, %get3A_33] : memref<32x1xf32, #tpu.memory_space<vmem>>, vector<32x1xf32>
    %get3A_35 = arith.constant 0 : index
    %get3A_36 = arith.constant 0 : index
    %get3A_37 = vector.load %arg12[%get3A_35, %get3A_36] : memref<32x1xf32, #tpu.memory_space<vmem>>, vector<32x1xf32>
    %get3A_38 = arith.constant 0 : index
    %get3A_39 = arith.constant 0 : index
    %get3A_40 = vector.load %arg13[%get3A_38, %get3A_39] : memref<1x1xf32, #tpu.memory_space<vmem>>, vector<1x1xf32>
    %get3A_41 = vector.extract %get3A_40[0, 0] : f32 from vector<1x1xf32>
    %broadcast_in_dim3A = arith.constant 0.000000e+00 : f32
    %broadcast_in_dim3A_42 = vector.broadcast %broadcast_in_dim3A : f32 to vector<1x4096xf32>
    %broadcast_in_dim3A_43 = arith.constant 1.000000e+00 : f32
    %broadcast_in_dim3A_44 = vector.broadcast %broadcast_in_dim3A_43 : f32 to vector<1x4096xf32>
    %get3A_45 = arith.constant 0 : index
    %get3A_46 = arith.constant 0 : index
    %get3A_47 = vector.load %arg1[%get3A_45, %get3A_46] : memref<16x4096xf32, #tpu.memory_space<vmem>>, vector<1x4096xf32>
    %slice3A = vector.extract_strided_slice %get3A_4 {offsets = [0, 0], sizes = [1, 1], strides = [1, 1]} : vector<16x128xf32> to vector<1x1xf32>
    %squeeze3A = vector.extract %slice3A[0, 0] : f32 from vector<1x1xf32>
    %sub3A = vector.broadcast %squeeze3A : f32 to vector<1x4096xf32>
    %sub3A_48 = arith.subf %get3A_17, %sub3A : vector<1x4096xf32>
    %abs3A = math.absf %sub3A_48 : vector<1x4096xf32>
    %concatenate3A = tpu.concatenate %get3A_47, %abs3A, %broadcast_in_dim3A_44 in 0 : vector<1x4096xf32>, vector<1x4096xf32>, vector<1x4096xf32> -> vector<3x4096xf32>
    %slice3A_49 = vector.extract_strided_slice %dot_general3A_14 {offsets = [0, 0], sizes = [128, 1], strides = [1, 1]} : vector<128x16xf32> to vector<128x1xf32>
    %concatenate3A_50 = tpu.concatenate %get3A_20, %get3A_23, %slice3A_49 in 1 : vector<128x1xf32>, vector<128x1xf32>, vector<128x1xf32> -> vector<128x3xf32>
    %dot_general3A_51 = arith.constant dense<0.000000e+00> : vector<128x4096xf32>
    %dot_general3A_52 = tpu.matmul %concatenate3A_50, %concatenate3A, %dot_general3A_51 {dimension_numbers = #tpu.dot_dimension_numbers<[1], [0], [0], [1], [0, 0, 1, 1], [], []>, transpose_lhs_hint = false} : vector<128x3xf32>, vector<3x4096xf32>, vector<128x4096xf32> -> vector<128x4096xf32>
    %add3A_53 = arith.addf %add3A_27, %dot_general3A_52 : vector<128x4096xf32>
    %max3A = arith.constant 0.000000e+00 : f32
    %max3A_54 = vector.broadcast %max3A : f32 to vector<128x4096xf32>
    %max3A_55 = arith.maximumf %add3A_53, %max3A_54 : vector<128x4096xf32>
    %convert_element_type3A_56 = arith.truncf %max3A_55 : vector<128x4096xf32> to vector<128x4096xbf16>
    %dot_general3A_57 = arith.constant dense<0.000000e+00> : vector<32x4096xf32>
    %dot_general3A_58 = tpu.matmul %convert_element_type3A_31, %convert_element_type3A_56, %dot_general3A_57 {dimension_numbers = #tpu.dot_dimension_numbers<[1], [0], [0], [1], [0, 0, 1, 1], [], []>, transpose_lhs_hint = false} : vector<32x128xbf16>, vector<128x4096xbf16>, vector<32x4096xf32> -> vector<32x4096xf32>
    %add3A_59 = vector.broadcast %get3A_34 : vector<32x1xf32> to vector<32x4096xf32>
    %add3A_60 = arith.addf %dot_general3A_58, %add3A_59 : vector<32x4096xf32>
    %max3A_61 = arith.constant 0.000000e+00 : f32
    %max3A_62 = vector.broadcast %max3A_61 : f32 to vector<32x4096xf32>
    %max3A_63 = arith.maximumf %add3A_60, %max3A_62 : vector<32x4096xf32>
    %mul3A = vector.broadcast %get3A_37 : vector<32x1xf32> to vector<32x4096xf32>
    %mul3A_64 = arith.mulf %max3A_63, %mul3A : vector<32x4096xf32>
    %reduce_sum3A = arith.constant dense<0.000000e+00> : vector<4096xf32>
    %reduce_sum3A_65 = vector.multi_reduction <add>, %mul3A_64, %reduce_sum3A [0] : vector<32x4096xf32> to vector<4096xf32>
    %broadcast_in_dim3A_66 = vector.shape_cast %reduce_sum3A_65 : vector<4096xf32> to vector<1x4096xf32>
    %add3A_67 = vector.broadcast %get3A_41 : f32 to vector<1x4096xf32>
    %add3A_68 = arith.addf %broadcast_in_dim3A_66, %add3A_67 : vector<1x4096xf32>
    %logistic3A = arith.negf %add3A_68 : vector<1x4096xf32>
    %logistic3A_69 = math.exp %logistic3A : vector<1x4096xf32>
    %logistic3A_70 = arith.constant 1.000000e+00 : f32
    %logistic3A_71 = vector.broadcast %logistic3A_70 : f32 to vector<1x4096xf32>
    %logistic3A_72 = arith.addf %logistic3A_71, %logistic3A_69 : vector<1x4096xf32>
    %logistic3A_73 = arith.divf %logistic3A_71, %logistic3A_72 : vector<1x4096xf32>
    %mul3A_74 = arith.mulf %logistic3A_73, %get3A_47 : vector<1x4096xf32>
    %max3A_75 = arith.maximumf %broadcast_in_dim3A_42, %mul3A_74 : vector<1x4096xf32>
    %get3A_76 = arith.constant 1 : index
    %get3A_77 = arith.constant 0 : index
    %get3A_78 = vector.load %arg1[%get3A_76, %get3A_77] : memref<16x4096xf32, #tpu.memory_space<vmem>>, vector<1x4096xf32>
    %slice3A_79 = vector.extract_strided_slice %get3A_4 {offsets = [1, 0], sizes = [1, 1], strides = [1, 1]} : vector<16x128xf32> to vector<1x1xf32>
    %squeeze3A_80 = vector.extract %slice3A_79[0, 0] : f32 from vector<1x1xf32>
    %sub3A_81 = vector.broadcast %squeeze3A_80 : f32 to vector<1x4096xf32>
    %sub3A_82 = arith.subf %get3A_17, %sub3A_81 : vector<1x4096xf32>
    %abs3A_83 = math.absf %sub3A_82 : vector<1x4096xf32>
    %concatenate3A_84 = tpu.concatenate %get3A_78, %abs3A_83, %broadcast_in_dim3A_44 in 0 : vector<1x4096xf32>, vector<1x4096xf32>, vector<1x4096xf32> -> vector<3x4096xf32>
    %slice3A_85 = vector.extract_strided_slice %dot_general3A_14 {offsets = [0, 1], sizes = [128, 1], strides = [1, 1]} : vector<128x16xf32> to vector<128x1xf32>
    %concatenate3A_86 = tpu.concatenate %get3A_20, %get3A_23, %slice3A_85 in 1 : vector<128x1xf32>, vector<128x1xf32>, vector<128x1xf32> -> vector<128x3xf32>
    %dot_general3A_87 = arith.constant dense<0.000000e+00> : vector<128x4096xf32>
    %dot_general3A_88 = tpu.matmul %concatenate3A_86, %concatenate3A_84, %dot_general3A_87 {dimension_numbers = #tpu.dot_dimension_numbers<[1], [0], [0], [1], [0, 0, 1, 1], [], []>, transpose_lhs_hint = false} : vector<128x3xf32>, vector<3x4096xf32>, vector<128x4096xf32> -> vector<128x4096xf32>
    %add3A_89 = arith.addf %add3A_27, %dot_general3A_88 : vector<128x4096xf32>
    %max3A_90 = arith.constant 0.000000e+00 : f32
    %max3A_91 = vector.broadcast %max3A_90 : f32 to vector<128x4096xf32>
    %max3A_92 = arith.maximumf %add3A_89, %max3A_91 : vector<128x4096xf32>
    %convert_element_type3A_93 = arith.truncf %max3A_92 : vector<128x4096xf32> to vector<128x4096xbf16>
    %dot_general3A_94 = arith.constant dense<0.000000e+00> : vector<32x4096xf32>
    %dot_general3A_95 = tpu.matmul %convert_element_type3A_31, %convert_element_type3A_93, %dot_general3A_94 {dimension_numbers = #tpu.dot_dimension_numbers<[1], [0], [0], [1], [0, 0, 1, 1], [], []>, transpose_lhs_hint = false} : vector<32x128xbf16>, vector<128x4096xbf16>, vector<32x4096xf32> -> vector<32x4096xf32>
    %add3A_96 = vector.broadcast %get3A_34 : vector<32x1xf32> to vector<32x4096xf32>
    %add3A_97 = arith.addf %dot_general3A_95, %add3A_96 : vector<32x4096xf32>
    %max3A_98 = arith.constant 0.000000e+00 : f32
    %max3A_99 = vector.broadcast %max3A_98 : f32 to vector<32x4096xf32>
    %max3A_100 = arith.maximumf %add3A_97, %max3A_99 : vector<32x4096xf32>
    %mul3A_101 = vector.broadcast %get3A_37 : vector<32x1xf32> to vector<32x4096xf32>
    %mul3A_102 = arith.mulf %max3A_100, %mul3A_101 : vector<32x4096xf32>
    %reduce_sum3A_103 = arith.constant dense<0.000000e+00> : vector<4096xf32>
    %reduce_sum3A_104 = vector.multi_reduction <add>, %mul3A_102, %reduce_sum3A_103 [0] : vector<32x4096xf32> to vector<4096xf32>
    %broadcast_in_dim3A_105 = vector.shape_cast %reduce_sum3A_104 : vector<4096xf32> to vector<1x4096xf32>
    %add3A_106 = vector.broadcast %get3A_41 : f32 to vector<1x4096xf32>
    %add3A_107 = arith.addf %broadcast_in_dim3A_105, %add3A_106 : vector<1x4096xf32>
    %logistic3A_108 = arith.negf %add3A_107 : vector<1x4096xf32>
    %logistic3A_109 = math.exp %logistic3A_108 : vector<1x4096xf32>
    %logistic3A_110 = arith.constant 1.000000e+00 : f32
    %logistic3A_111 = vector.broadcast %logistic3A_110 : f32 to vector<1x4096xf32>
    %logistic3A_112 = arith.addf %logistic3A_111, %logistic3A_109 : vector<1x4096xf32>
    %logistic3A_113 = arith.divf %logistic3A_111, %logistic3A_112 : vector<1x4096xf32>
    %mul3A_114 = arith.mulf %logistic3A_113, %get3A_78 : vector<1x4096xf32>
    %max3A_115 = arith.maximumf %max3A_75, %mul3A_114 : vector<1x4096xf32>
    %get3A_116 = arith.constant 2 : index
    %get3A_117 = arith.constant 0 : index
    %get3A_118 = vector.load %arg1[%get3A_116, %get3A_117] : memref<16x4096xf32, #tpu.memory_space<vmem>>, vector<1x4096xf32>
    %slice3A_119 = vector.extract_strided_slice %get3A_4 {offsets = [2, 0], sizes = [1, 1], strides = [1, 1]} : vector<16x128xf32> to vector<1x1xf32>
    %squeeze3A_120 = vector.extract %slice3A_119[0, 0] : f32 from vector<1x1xf32>
    %sub3A_121 = vector.broadcast %squeeze3A_120 : f32 to vector<1x4096xf32>
    %sub3A_122 = arith.subf %get3A_17, %sub3A_121 : vector<1x4096xf32>
    %abs3A_123 = math.absf %sub3A_122 : vector<1x4096xf32>
    %concatenate3A_124 = tpu.concatenate %get3A_118, %abs3A_123, %broadcast_in_dim3A_44 in 0 : vector<1x4096xf32>, vector<1x4096xf32>, vector<1x4096xf32> -> vector<3x4096xf32>
    %slice3A_125 = vector.extract_strided_slice %dot_general3A_14 {offsets = [0, 2], sizes = [128, 1], strides = [1, 1]} : vector<128x16xf32> to vector<128x1xf32>
    %concatenate3A_126 = tpu.concatenate %get3A_20, %get3A_23, %slice3A_125 in 1 : vector<128x1xf32>, vector<128x1xf32>, vector<128x1xf32> -> vector<128x3xf32>
    %dot_general3A_127 = arith.constant dense<0.000000e+00> : vector<128x4096xf32>
    %dot_general3A_128 = tpu.matmul %concatenate3A_126, %concatenate3A_124, %dot_general3A_127 {dimension_numbers = #tpu.dot_dimension_numbers<[1], [0], [0], [1], [0, 0, 1, 1], [], []>, transpose_lhs_hint = false} : vector<128x3xf32>, vector<3x4096xf32>, vector<128x4096xf32> -> vector<128x4096xf32>
    %add3A_129 = arith.addf %add3A_27, %dot_general3A_128 : vector<128x4096xf32>
    %max3A_130 = arith.constant 0.000000e+00 : f32
    %max3A_131 = vector.broadcast %max3A_130 : f32 to vector<128x4096xf32>
    %max3A_132 = arith.maximumf %add3A_129, %max3A_131 : vector<128x4096xf32>
    %convert_element_type3A_133 = arith.truncf %max3A_132 : vector<128x4096xf32> to vector<128x4096xbf16>
    %dot_general3A_134 = arith.constant dense<0.000000e+00> : vector<32x4096xf32>
    %dot_general3A_135 = tpu.matmul %convert_element_type3A_31, %convert_element_type3A_133, %dot_general3A_134 {dimension_numbers = #tpu.dot_dimension_numbers<[1], [0], [0], [1], [0, 0, 1, 1], [], []>, transpose_lhs_hint = false} : vector<32x128xbf16>, vector<128x4096xbf16>, vector<32x4096xf32> -> vector<32x4096xf32>
    %add3A_136 = vector.broadcast %get3A_34 : vector<32x1xf32> to vector<32x4096xf32>
    %add3A_137 = arith.addf %dot_general3A_135, %add3A_136 : vector<32x4096xf32>
    %max3A_138 = arith.constant 0.000000e+00 : f32
    %max3A_139 = vector.broadcast %max3A_138 : f32 to vector<32x4096xf32>
    %max3A_140 = arith.maximumf %add3A_137, %max3A_139 : vector<32x4096xf32>
    %mul3A_141 = vector.broadcast %get3A_37 : vector<32x1xf32> to vector<32x4096xf32>
    %mul3A_142 = arith.mulf %max3A_140, %mul3A_141 : vector<32x4096xf32>
    %reduce_sum3A_143 = arith.constant dense<0.000000e+00> : vector<4096xf32>
    %reduce_sum3A_144 = vector.multi_reduction <add>, %mul3A_142, %reduce_sum3A_143 [0] : vector<32x4096xf32> to vector<4096xf32>
    %broadcast_in_dim3A_145 = vector.shape_cast %reduce_sum3A_144 : vector<4096xf32> to vector<1x4096xf32>
    %add3A_146 = vector.broadcast %get3A_41 : f32 to vector<1x4096xf32>
    %add3A_147 = arith.addf %broadcast_in_dim3A_145, %add3A_146 : vector<1x4096xf32>
    %logistic3A_148 = arith.negf %add3A_147 : vector<1x4096xf32>
    %logistic3A_149 = math.exp %logistic3A_148 : vector<1x4096xf32>
    %logistic3A_150 = arith.constant 1.000000e+00 : f32
    %logistic3A_151 = vector.broadcast %logistic3A_150 : f32 to vector<1x4096xf32>
    %logistic3A_152 = arith.addf %logistic3A_151, %logistic3A_149 : vector<1x4096xf32>
    %logistic3A_153 = arith.divf %logistic3A_151, %logistic3A_152 : vector<1x4096xf32>
    %mul3A_154 = arith.mulf %logistic3A_153, %get3A_118 : vector<1x4096xf32>
    %max3A_155 = arith.maximumf %max3A_115, %mul3A_154 : vector<1x4096xf32>
    %get3A_156 = arith.constant 3 : index
    %get3A_157 = arith.constant 0 : index
    %get3A_158 = vector.load %arg1[%get3A_156, %get3A_157] : memref<16x4096xf32, #tpu.memory_space<vmem>>, vector<1x4096xf32>
    %slice3A_159 = vector.extract_strided_slice %get3A_4 {offsets = [3, 0], sizes = [1, 1], strides = [1, 1]} : vector<16x128xf32> to vector<1x1xf32>
    %squeeze3A_160 = vector.extract %slice3A_159[0, 0] : f32 from vector<1x1xf32>
    %sub3A_161 = vector.broadcast %squeeze3A_160 : f32 to vector<1x4096xf32>
    %sub3A_162 = arith.subf %get3A_17, %sub3A_161 : vector<1x4096xf32>
    %abs3A_163 = math.absf %sub3A_162 : vector<1x4096xf32>
    %concatenate3A_164 = tpu.concatenate %get3A_158, %abs3A_163, %broadcast_in_dim3A_44 in 0 : vector<1x4096xf32>, vector<1x4096xf32>, vector<1x4096xf32> -> vector<3x4096xf32>
    %slice3A_165 = vector.extract_strided_slice %dot_general3A_14 {offsets = [0, 3], sizes = [128, 1], strides = [1, 1]} : vector<128x16xf32> to vector<128x1xf32>
    %concatenate3A_166 = tpu.concatenate %get3A_20, %get3A_23, %slice3A_165 in 1 : vector<128x1xf32>, vector<128x1xf32>, vector<128x1xf32> -> vector<128x3xf32>
    %dot_general3A_167 = arith.constant dense<0.000000e+00> : vector<128x4096xf32>
    %dot_general3A_168 = tpu.matmul %concatenate3A_166, %concatenate3A_164, %dot_general3A_167 {dimension_numbers = #tpu.dot_dimension_numbers<[1], [0], [0], [1], [0, 0, 1, 1], [], []>, transpose_lhs_hint = false} : vector<128x3xf32>, vector<3x4096xf32>, vector<128x4096xf32> -> vector<128x4096xf32>
    %add3A_169 = arith.addf %add3A_27, %dot_general3A_168 : vector<128x4096xf32>
    %max3A_170 = arith.constant 0.000000e+00 : f32
    %max3A_171 = vector.broadcast %max3A_170 : f32 to vector<128x4096xf32>
    %max3A_172 = arith.maximumf %add3A_169, %max3A_171 : vector<128x4096xf32>
    %convert_element_type3A_173 = arith.truncf %max3A_172 : vector<128x4096xf32> to vector<128x4096xbf16>
    %dot_general3A_174 = arith.constant dense<0.000000e+00> : vector<32x4096xf32>
    %dot_general3A_175 = tpu.matmul %convert_element_type3A_31, %convert_element_type3A_173, %dot_general3A_174 {dimension_numbers = #tpu.dot_dimension_numbers<[1], [0], [0], [1], [0, 0, 1, 1], [], []>, transpose_lhs_hint = false} : vector<32x128xbf16>, vector<128x4096xbf16>, vector<32x4096xf32> -> vector<32x4096xf32>
    %add3A_176 = vector.broadcast %get3A_34 : vector<32x1xf32> to vector<32x4096xf32>
    %add3A_177 = arith.addf %dot_general3A_175, %add3A_176 : vector<32x4096xf32>
    %max3A_178 = arith.constant 0.000000e+00 : f32
    %max3A_179 = vector.broadcast %max3A_178 : f32 to vector<32x4096xf32>
    %max3A_180 = arith.maximumf %add3A_177, %max3A_179 : vector<32x4096xf32>
    %mul3A_181 = vector.broadcast %get3A_37 : vector<32x1xf32> to vector<32x4096xf32>
    %mul3A_182 = arith.mulf %max3A_180, %mul3A_181 : vector<32x4096xf32>
    %reduce_sum3A_183 = arith.constant dense<0.000000e+00> : vector<4096xf32>
    %reduce_sum3A_184 = vector.multi_reduction <add>, %mul3A_182, %reduce_sum3A_183 [0] : vector<32x4096xf32> to vector<4096xf32>
    %broadcast_in_dim3A_185 = vector.shape_cast %reduce_sum3A_184 : vector<4096xf32> to vector<1x4096xf32>
    %add3A_186 = vector.broadcast %get3A_41 : f32 to vector<1x4096xf32>
    %add3A_187 = arith.addf %broadcast_in_dim3A_185, %add3A_186 : vector<1x4096xf32>
    %logistic3A_188 = arith.negf %add3A_187 : vector<1x4096xf32>
    %logistic3A_189 = math.exp %logistic3A_188 : vector<1x4096xf32>
    %logistic3A_190 = arith.constant 1.000000e+00 : f32
    %logistic3A_191 = vector.broadcast %logistic3A_190 : f32 to vector<1x4096xf32>
    %logistic3A_192 = arith.addf %logistic3A_191, %logistic3A_189 : vector<1x4096xf32>
    %logistic3A_193 = arith.divf %logistic3A_191, %logistic3A_192 : vector<1x4096xf32>
    %mul3A_194 = arith.mulf %logistic3A_193, %get3A_158 : vector<1x4096xf32>
    %max3A_195 = arith.maximumf %max3A_155, %mul3A_194 : vector<1x4096xf32>
    %get3A_196 = arith.constant 4 : index
    %get3A_197 = arith.constant 0 : index
    %get3A_198 = vector.load %arg1[%get3A_196, %get3A_197] : memref<16x4096xf32, #tpu.memory_space<vmem>>, vector<1x4096xf32>
    %slice3A_199 = vector.extract_strided_slice %get3A_4 {offsets = [4, 0], sizes = [1, 1], strides = [1, 1]} : vector<16x128xf32> to vector<1x1xf32>
    %squeeze3A_200 = vector.extract %slice3A_199[0, 0] : f32 from vector<1x1xf32>
    %sub3A_201 = vector.broadcast %squeeze3A_200 : f32 to vector<1x4096xf32>
    %sub3A_202 = arith.subf %get3A_17, %sub3A_201 : vector<1x4096xf32>
    %abs3A_203 = math.absf %sub3A_202 : vector<1x4096xf32>
    %concatenate3A_204 = tpu.concatenate %get3A_198, %abs3A_203, %broadcast_in_dim3A_44 in 0 : vector<1x4096xf32>, vector<1x4096xf32>, vector<1x4096xf32> -> vector<3x4096xf32>
    %slice3A_205 = vector.extract_strided_slice %dot_general3A_14 {offsets = [0, 4], sizes = [128, 1], strides = [1, 1]} : vector<128x16xf32> to vector<128x1xf32>
    %concatenate3A_206 = tpu.concatenate %get3A_20, %get3A_23, %slice3A_205 in 1 : vector<128x1xf32>, vector<128x1xf32>, vector<128x1xf32> -> vector<128x3xf32>
    %dot_general3A_207 = arith.constant dense<0.000000e+00> : vector<128x4096xf32>
    %dot_general3A_208 = tpu.matmul %concatenate3A_206, %concatenate3A_204, %dot_general3A_207 {dimension_numbers = #tpu.dot_dimension_numbers<[1], [0], [0], [1], [0, 0, 1, 1], [], []>, transpose_lhs_hint = false} : vector<128x3xf32>, vector<3x4096xf32>, vector<128x4096xf32> -> vector<128x4096xf32>
    %add3A_209 = arith.addf %add3A_27, %dot_general3A_208 : vector<128x4096xf32>
    %max3A_210 = arith.constant 0.000000e+00 : f32
    %max3A_211 = vector.broadcast %max3A_210 : f32 to vector<128x4096xf32>
    %max3A_212 = arith.maximumf %add3A_209, %max3A_211 : vector<128x4096xf32>
    %convert_element_type3A_213 = arith.truncf %max3A_212 : vector<128x4096xf32> to vector<128x4096xbf16>
    %dot_general3A_214 = arith.constant dense<0.000000e+00> : vector<32x4096xf32>
    %dot_general3A_215 = tpu.matmul %convert_element_type3A_31, %convert_element_type3A_213, %dot_general3A_214 {dimension_numbers = #tpu.dot_dimension_numbers<[1], [0], [0], [1], [0, 0, 1, 1], [], []>, transpose_lhs_hint = false} : vector<32x128xbf16>, vector<128x4096xbf16>, vector<32x4096xf32> -> vector<32x4096xf32>
    %add3A_216 = vector.broadcast %get3A_34 : vector<32x1xf32> to vector<32x4096xf32>
    %add3A_217 = arith.addf %dot_general3A_215, %add3A_216 : vector<32x4096xf32>
    %max3A_218 = arith.constant 0.000000e+00 : f32
    %max3A_219 = vector.broadcast %max3A_218 : f32 to vector<32x4096xf32>
    %max3A_220 = arith.maximumf %add3A_217, %max3A_219 : vector<32x4096xf32>
    %mul3A_221 = vector.broadcast %get3A_37 : vector<32x1xf32> to vector<32x4096xf32>
    %mul3A_222 = arith.mulf %max3A_220, %mul3A_221 : vector<32x4096xf32>
    %reduce_sum3A_223 = arith.constant dense<0.000000e+00> : vector<4096xf32>
    %reduce_sum3A_224 = vector.multi_reduction <add>, %mul3A_222, %reduce_sum3A_223 [0] : vector<32x4096xf32> to vector<4096xf32>
    %broadcast_in_dim3A_225 = vector.shape_cast %reduce_sum3A_224 : vector<4096xf32> to vector<1x4096xf32>
    %add3A_226 = vector.broadcast %get3A_41 : f32 to vector<1x4096xf32>
    %add3A_227 = arith.addf %broadcast_in_dim3A_225, %add3A_226 : vector<1x4096xf32>
    %logistic3A_228 = arith.negf %add3A_227 : vector<1x4096xf32>
    %logistic3A_229 = math.exp %logistic3A_228 : vector<1x4096xf32>
    %logistic3A_230 = arith.constant 1.000000e+00 : f32
    %logistic3A_231 = vector.broadcast %logistic3A_230 : f32 to vector<1x4096xf32>
    %logistic3A_232 = arith.addf %logistic3A_231, %logistic3A_229 : vector<1x4096xf32>
    %logistic3A_233 = arith.divf %logistic3A_231, %logistic3A_232 : vector<1x4096xf32>
    %mul3A_234 = arith.mulf %logistic3A_233, %get3A_198 : vector<1x4096xf32>
    %max3A_235 = arith.maximumf %max3A_195, %mul3A_234 : vector<1x4096xf32>
    %get3A_236 = arith.constant 5 : index
    %get3A_237 = arith.constant 0 : index
    %get3A_238 = vector.load %arg1[%get3A_236, %get3A_237] : memref<16x4096xf32, #tpu.memory_space<vmem>>, vector<1x4096xf32>
    %slice3A_239 = vector.extract_strided_slice %get3A_4 {offsets = [5, 0], sizes = [1, 1], strides = [1, 1]} : vector<16x128xf32> to vector<1x1xf32>
    %squeeze3A_240 = vector.extract %slice3A_239[0, 0] : f32 from vector<1x1xf32>
    %sub3A_241 = vector.broadcast %squeeze3A_240 : f32 to vector<1x4096xf32>
    %sub3A_242 = arith.subf %get3A_17, %sub3A_241 : vector<1x4096xf32>
    %abs3A_243 = math.absf %sub3A_242 : vector<1x4096xf32>
    %concatenate3A_244 = tpu.concatenate %get3A_238, %abs3A_243, %broadcast_in_dim3A_44 in 0 : vector<1x4096xf32>, vector<1x4096xf32>, vector<1x4096xf32> -> vector<3x4096xf32>
    %slice3A_245 = vector.extract_strided_slice %dot_general3A_14 {offsets = [0, 5], sizes = [128, 1], strides = [1, 1]} : vector<128x16xf32> to vector<128x1xf32>
    %concatenate3A_246 = tpu.concatenate %get3A_20, %get3A_23, %slice3A_245 in 1 : vector<128x1xf32>, vector<128x1xf32>, vector<128x1xf32> -> vector<128x3xf32>
    %dot_general3A_247 = arith.constant dense<0.000000e+00> : vector<128x4096xf32>
    %dot_general3A_248 = tpu.matmul %concatenate3A_246, %concatenate3A_244, %dot_general3A_247 {dimension_numbers = #tpu.dot_dimension_numbers<[1], [0], [0], [1], [0, 0, 1, 1], [], []>, transpose_lhs_hint = false} : vector<128x3xf32>, vector<3x4096xf32>, vector<128x4096xf32> -> vector<128x4096xf32>
    %add3A_249 = arith.addf %add3A_27, %dot_general3A_248 : vector<128x4096xf32>
    %max3A_250 = arith.constant 0.000000e+00 : f32
    %max3A_251 = vector.broadcast %max3A_250 : f32 to vector<128x4096xf32>
    %max3A_252 = arith.maximumf %add3A_249, %max3A_251 : vector<128x4096xf32>
    %convert_element_type3A_253 = arith.truncf %max3A_252 : vector<128x4096xf32> to vector<128x4096xbf16>
    %dot_general3A_254 = arith.constant dense<0.000000e+00> : vector<32x4096xf32>
    %dot_general3A_255 = tpu.matmul %convert_element_type3A_31, %convert_element_type3A_253, %dot_general3A_254 {dimension_numbers = #tpu.dot_dimension_numbers<[1], [0], [0], [1], [0, 0, 1, 1], [], []>, transpose_lhs_hint = false} : vector<32x128xbf16>, vector<128x4096xbf16>, vector<32x4096xf32> -> vector<32x4096xf32>
    %add3A_256 = vector.broadcast %get3A_34 : vector<32x1xf32> to vector<32x4096xf32>
    %add3A_257 = arith.addf %dot_general3A_255, %add3A_256 : vector<32x4096xf32>
    %max3A_258 = arith.constant 0.000000e+00 : f32
    %max3A_259 = vector.broadcast %max3A_258 : f32 to vector<32x4096xf32>
    %max3A_260 = arith.maximumf %add3A_257, %max3A_259 : vector<32x4096xf32>
    %mul3A_261 = vector.broadcast %get3A_37 : vector<32x1xf32> to vector<32x4096xf32>
    %mul3A_262 = arith.mulf %max3A_260, %mul3A_261 : vector<32x4096xf32>
    %reduce_sum3A_263 = arith.constant dense<0.000000e+00> : vector<4096xf32>
    %reduce_sum3A_264 = vector.multi_reduction <add>, %mul3A_262, %reduce_sum3A_263 [0] : vector<32x4096xf32> to vector<4096xf32>
    %broadcast_in_dim3A_265 = vector.shape_cast %reduce_sum3A_264 : vector<4096xf32> to vector<1x4096xf32>
    %add3A_266 = vector.broadcast %get3A_41 : f32 to vector<1x4096xf32>
    %add3A_267 = arith.addf %broadcast_in_dim3A_265, %add3A_266 : vector<1x4096xf32>
    %logistic3A_268 = arith.negf %add3A_267 : vector<1x4096xf32>
    %logistic3A_269 = math.exp %logistic3A_268 : vector<1x4096xf32>
    %logistic3A_270 = arith.constant 1.000000e+00 : f32
    %logistic3A_271 = vector.broadcast %logistic3A_270 : f32 to vector<1x4096xf32>
    %logistic3A_272 = arith.addf %logistic3A_271, %logistic3A_269 : vector<1x4096xf32>
    %logistic3A_273 = arith.divf %logistic3A_271, %logistic3A_272 : vector<1x4096xf32>
    %mul3A_274 = arith.mulf %logistic3A_273, %get3A_238 : vector<1x4096xf32>
    %max3A_275 = arith.maximumf %max3A_235, %mul3A_274 : vector<1x4096xf32>
    %get3A_276 = arith.constant 6 : index
    %get3A_277 = arith.constant 0 : index
    %get3A_278 = vector.load %arg1[%get3A_276, %get3A_277] : memref<16x4096xf32, #tpu.memory_space<vmem>>, vector<1x4096xf32>
    %slice3A_279 = vector.extract_strided_slice %get3A_4 {offsets = [6, 0], sizes = [1, 1], strides = [1, 1]} : vector<16x128xf32> to vector<1x1xf32>
    %squeeze3A_280 = vector.extract %slice3A_279[0, 0] : f32 from vector<1x1xf32>
    %sub3A_281 = vector.broadcast %squeeze3A_280 : f32 to vector<1x4096xf32>
    %sub3A_282 = arith.subf %get3A_17, %sub3A_281 : vector<1x4096xf32>
    %abs3A_283 = math.absf %sub3A_282 : vector<1x4096xf32>
    %concatenate3A_284 = tpu.concatenate %get3A_278, %abs3A_283, %broadcast_in_dim3A_44 in 0 : vector<1x4096xf32>, vector<1x4096xf32>, vector<1x4096xf32> -> vector<3x4096xf32>
    %slice3A_285 = vector.extract_strided_slice %dot_general3A_14 {offsets = [0, 6], sizes = [128, 1], strides = [1, 1]} : vector<128x16xf32> to vector<128x1xf32>
    %concatenate3A_286 = tpu.concatenate %get3A_20, %get3A_23, %slice3A_285 in 1 : vector<128x1xf32>, vector<128x1xf32>, vector<128x1xf32> -> vector<128x3xf32>
    %dot_general3A_287 = arith.constant dense<0.000000e+00> : vector<128x4096xf32>
    %dot_general3A_288 = tpu.matmul %concatenate3A_286, %concatenate3A_284, %dot_general3A_287 {dimension_numbers = #tpu.dot_dimension_numbers<[1], [0], [0], [1], [0, 0, 1, 1], [], []>, transpose_lhs_hint = false} : vector<128x3xf32>, vector<3x4096xf32>, vector<128x4096xf32> -> vector<128x4096xf32>
    %add3A_289 = arith.addf %add3A_27, %dot_general3A_288 : vector<128x4096xf32>
    %max3A_290 = arith.constant 0.000000e+00 : f32
    %max3A_291 = vector.broadcast %max3A_290 : f32 to vector<128x4096xf32>
    %max3A_292 = arith.maximumf %add3A_289, %max3A_291 : vector<128x4096xf32>
    %convert_element_type3A_293 = arith.truncf %max3A_292 : vector<128x4096xf32> to vector<128x4096xbf16>
    %dot_general3A_294 = arith.constant dense<0.000000e+00> : vector<32x4096xf32>
    %dot_general3A_295 = tpu.matmul %convert_element_type3A_31, %convert_element_type3A_293, %dot_general3A_294 {dimension_numbers = #tpu.dot_dimension_numbers<[1], [0], [0], [1], [0, 0, 1, 1], [], []>, transpose_lhs_hint = false} : vector<32x128xbf16>, vector<128x4096xbf16>, vector<32x4096xf32> -> vector<32x4096xf32>
    %add3A_296 = vector.broadcast %get3A_34 : vector<32x1xf32> to vector<32x4096xf32>
    %add3A_297 = arith.addf %dot_general3A_295, %add3A_296 : vector<32x4096xf32>
    %max3A_298 = arith.constant 0.000000e+00 : f32
    %max3A_299 = vector.broadcast %max3A_298 : f32 to vector<32x4096xf32>
    %max3A_300 = arith.maximumf %add3A_297, %max3A_299 : vector<32x4096xf32>
    %mul3A_301 = vector.broadcast %get3A_37 : vector<32x1xf32> to vector<32x4096xf32>
    %mul3A_302 = arith.mulf %max3A_300, %mul3A_301 : vector<32x4096xf32>
    %reduce_sum3A_303 = arith.constant dense<0.000000e+00> : vector<4096xf32>
    %reduce_sum3A_304 = vector.multi_reduction <add>, %mul3A_302, %reduce_sum3A_303 [0] : vector<32x4096xf32> to vector<4096xf32>
    %broadcast_in_dim3A_305 = vector.shape_cast %reduce_sum3A_304 : vector<4096xf32> to vector<1x4096xf32>
    %add3A_306 = vector.broadcast %get3A_41 : f32 to vector<1x4096xf32>
    %add3A_307 = arith.addf %broadcast_in_dim3A_305, %add3A_306 : vector<1x4096xf32>
    %logistic3A_308 = arith.negf %add3A_307 : vector<1x4096xf32>
    %logistic3A_309 = math.exp %logistic3A_308 : vector<1x4096xf32>
    %logistic3A_310 = arith.constant 1.000000e+00 : f32
    %logistic3A_311 = vector.broadcast %logistic3A_310 : f32 to vector<1x4096xf32>
    %logistic3A_312 = arith.addf %logistic3A_311, %logistic3A_309 : vector<1x4096xf32>
    %logistic3A_313 = arith.divf %logistic3A_311, %logistic3A_312 : vector<1x4096xf32>
    %mul3A_314 = arith.mulf %logistic3A_313, %get3A_278 : vector<1x4096xf32>
    %max3A_315 = arith.maximumf %max3A_275, %mul3A_314 : vector<1x4096xf32>
    %get3A_316 = arith.constant 7 : index
    %get3A_317 = arith.constant 0 : index
    %get3A_318 = vector.load %arg1[%get3A_316, %get3A_317] : memref<16x4096xf32, #tpu.memory_space<vmem>>, vector<1x4096xf32>
    %slice3A_319 = vector.extract_strided_slice %get3A_4 {offsets = [7, 0], sizes = [1, 1], strides = [1, 1]} : vector<16x128xf32> to vector<1x1xf32>
    %squeeze3A_320 = vector.extract %slice3A_319[0, 0] : f32 from vector<1x1xf32>
    %sub3A_321 = vector.broadcast %squeeze3A_320 : f32 to vector<1x4096xf32>
    %sub3A_322 = arith.subf %get3A_17, %sub3A_321 : vector<1x4096xf32>
    %abs3A_323 = math.absf %sub3A_322 : vector<1x4096xf32>
    %concatenate3A_324 = tpu.concatenate %get3A_318, %abs3A_323, %broadcast_in_dim3A_44 in 0 : vector<1x4096xf32>, vector<1x4096xf32>, vector<1x4096xf32> -> vector<3x4096xf32>
    %slice3A_325 = vector.extract_strided_slice %dot_general3A_14 {offsets = [0, 7], sizes = [128, 1], strides = [1, 1]} : vector<128x16xf32> to vector<128x1xf32>
    %concatenate3A_326 = tpu.concatenate %get3A_20, %get3A_23, %slice3A_325 in 1 : vector<128x1xf32>, vector<128x1xf32>, vector<128x1xf32> -> vector<128x3xf32>
    %dot_general3A_327 = arith.constant dense<0.000000e+00> : vector<128x4096xf32>
    %dot_general3A_328 = tpu.matmul %concatenate3A_326, %concatenate3A_324, %dot_general3A_327 {dimension_numbers = #tpu.dot_dimension_numbers<[1], [0], [0], [1], [0, 0, 1, 1], [], []>, transpose_lhs_hint = false} : vector<128x3xf32>, vector<3x4096xf32>, vector<128x4096xf32> -> vector<128x4096xf32>
    %add3A_329 = arith.addf %add3A_27, %dot_general3A_328 : vector<128x4096xf32>
    %max3A_330 = arith.constant 0.000000e+00 : f32
    %max3A_331 = vector.broadcast %max3A_330 : f32 to vector<128x4096xf32>
    %max3A_332 = arith.maximumf %add3A_329, %max3A_331 : vector<128x4096xf32>
    %convert_element_type3A_333 = arith.truncf %max3A_332 : vector<128x4096xf32> to vector<128x4096xbf16>
    %dot_general3A_334 = arith.constant dense<0.000000e+00> : vector<32x4096xf32>
    %dot_general3A_335 = tpu.matmul %convert_element_type3A_31, %convert_element_type3A_333, %dot_general3A_334 {dimension_numbers = #tpu.dot_dimension_numbers<[1], [0], [0], [1], [0, 0, 1, 1], [], []>, transpose_lhs_hint = false} : vector<32x128xbf16>, vector<128x4096xbf16>, vector<32x4096xf32> -> vector<32x4096xf32>
    %add3A_336 = vector.broadcast %get3A_34 : vector<32x1xf32> to vector<32x4096xf32>
    %add3A_337 = arith.addf %dot_general3A_335, %add3A_336 : vector<32x4096xf32>
    %max3A_338 = arith.constant 0.000000e+00 : f32
    %max3A_339 = vector.broadcast %max3A_338 : f32 to vector<32x4096xf32>
    %max3A_340 = arith.maximumf %add3A_337, %max3A_339 : vector<32x4096xf32>
    %mul3A_341 = vector.broadcast %get3A_37 : vector<32x1xf32> to vector<32x4096xf32>
    %mul3A_342 = arith.mulf %max3A_340, %mul3A_341 : vector<32x4096xf32>
    %reduce_sum3A_343 = arith.constant dense<0.000000e+00> : vector<4096xf32>
    %reduce_sum3A_344 = vector.multi_reduction <add>, %mul3A_342, %reduce_sum3A_343 [0] : vector<32x4096xf32> to vector<4096xf32>
    %broadcast_in_dim3A_345 = vector.shape_cast %reduce_sum3A_344 : vector<4096xf32> to vector<1x4096xf32>
    %add3A_346 = vector.broadcast %get3A_41 : f32 to vector<1x4096xf32>
    %add3A_347 = arith.addf %broadcast_in_dim3A_345, %add3A_346 : vector<1x4096xf32>
    %logistic3A_348 = arith.negf %add3A_347 : vector<1x4096xf32>
    %logistic3A_349 = math.exp %logistic3A_348 : vector<1x4096xf32>
    %logistic3A_350 = arith.constant 1.000000e+00 : f32
    %logistic3A_351 = vector.broadcast %logistic3A_350 : f32 to vector<1x4096xf32>
    %logistic3A_352 = arith.addf %logistic3A_351, %logistic3A_349 : vector<1x4096xf32>
    %logistic3A_353 = arith.divf %logistic3A_351, %logistic3A_352 : vector<1x4096xf32>
    %mul3A_354 = arith.mulf %logistic3A_353, %get3A_318 : vector<1x4096xf32>
    %max3A_355 = arith.maximumf %max3A_315, %mul3A_354 : vector<1x4096xf32>
    %get3A_356 = arith.constant 8 : index
    %get3A_357 = arith.constant 0 : index
    %get3A_358 = vector.load %arg1[%get3A_356, %get3A_357] : memref<16x4096xf32, #tpu.memory_space<vmem>>, vector<1x4096xf32>
    %slice3A_359 = vector.extract_strided_slice %get3A_4 {offsets = [8, 0], sizes = [1, 1], strides = [1, 1]} : vector<16x128xf32> to vector<1x1xf32>
    %squeeze3A_360 = vector.extract %slice3A_359[0, 0] : f32 from vector<1x1xf32>
    %sub3A_361 = vector.broadcast %squeeze3A_360 : f32 to vector<1x4096xf32>
    %sub3A_362 = arith.subf %get3A_17, %sub3A_361 : vector<1x4096xf32>
    %abs3A_363 = math.absf %sub3A_362 : vector<1x4096xf32>
    %concatenate3A_364 = tpu.concatenate %get3A_358, %abs3A_363, %broadcast_in_dim3A_44 in 0 : vector<1x4096xf32>, vector<1x4096xf32>, vector<1x4096xf32> -> vector<3x4096xf32>
    %slice3A_365 = vector.extract_strided_slice %dot_general3A_14 {offsets = [0, 8], sizes = [128, 1], strides = [1, 1]} : vector<128x16xf32> to vector<128x1xf32>
    %concatenate3A_366 = tpu.concatenate %get3A_20, %get3A_23, %slice3A_365 in 1 : vector<128x1xf32>, vector<128x1xf32>, vector<128x1xf32> -> vector<128x3xf32>
    %dot_general3A_367 = arith.constant dense<0.000000e+00> : vector<128x4096xf32>
    %dot_general3A_368 = tpu.matmul %concatenate3A_366, %concatenate3A_364, %dot_general3A_367 {dimension_numbers = #tpu.dot_dimension_numbers<[1], [0], [0], [1], [0, 0, 1, 1], [], []>, transpose_lhs_hint = false} : vector<128x3xf32>, vector<3x4096xf32>, vector<128x4096xf32> -> vector<128x4096xf32>
    %add3A_369 = arith.addf %add3A_27, %dot_general3A_368 : vector<128x4096xf32>
    %max3A_370 = arith.constant 0.000000e+00 : f32
    %max3A_371 = vector.broadcast %max3A_370 : f32 to vector<128x4096xf32>
    %max3A_372 = arith.maximumf %add3A_369, %max3A_371 : vector<128x4096xf32>
    %convert_element_type3A_373 = arith.truncf %max3A_372 : vector<128x4096xf32> to vector<128x4096xbf16>
    %dot_general3A_374 = arith.constant dense<0.000000e+00> : vector<32x4096xf32>
    %dot_general3A_375 = tpu.matmul %convert_element_type3A_31, %convert_element_type3A_373, %dot_general3A_374 {dimension_numbers = #tpu.dot_dimension_numbers<[1], [0], [0], [1], [0, 0, 1, 1], [], []>, transpose_lhs_hint = false} : vector<32x128xbf16>, vector<128x4096xbf16>, vector<32x4096xf32> -> vector<32x4096xf32>
    %add3A_376 = vector.broadcast %get3A_34 : vector<32x1xf32> to vector<32x4096xf32>
    %add3A_377 = arith.addf %dot_general3A_375, %add3A_376 : vector<32x4096xf32>
    %max3A_378 = arith.constant 0.000000e+00 : f32
    %max3A_379 = vector.broadcast %max3A_378 : f32 to vector<32x4096xf32>
    %max3A_380 = arith.maximumf %add3A_377, %max3A_379 : vector<32x4096xf32>
    %mul3A_381 = vector.broadcast %get3A_37 : vector<32x1xf32> to vector<32x4096xf32>
    %mul3A_382 = arith.mulf %max3A_380, %mul3A_381 : vector<32x4096xf32>
    %reduce_sum3A_383 = arith.constant dense<0.000000e+00> : vector<4096xf32>
    %reduce_sum3A_384 = vector.multi_reduction <add>, %mul3A_382, %reduce_sum3A_383 [0] : vector<32x4096xf32> to vector<4096xf32>
    %broadcast_in_dim3A_385 = vector.shape_cast %reduce_sum3A_384 : vector<4096xf32> to vector<1x4096xf32>
    %add3A_386 = vector.broadcast %get3A_41 : f32 to vector<1x4096xf32>
    %add3A_387 = arith.addf %broadcast_in_dim3A_385, %add3A_386 : vector<1x4096xf32>
    %logistic3A_388 = arith.negf %add3A_387 : vector<1x4096xf32>
    %logistic3A_389 = math.exp %logistic3A_388 : vector<1x4096xf32>
    %logistic3A_390 = arith.constant 1.000000e+00 : f32
    %logistic3A_391 = vector.broadcast %logistic3A_390 : f32 to vector<1x4096xf32>
    %logistic3A_392 = arith.addf %logistic3A_391, %logistic3A_389 : vector<1x4096xf32>
    %logistic3A_393 = arith.divf %logistic3A_391, %logistic3A_392 : vector<1x4096xf32>
    %mul3A_394 = arith.mulf %logistic3A_393, %get3A_358 : vector<1x4096xf32>
    %max3A_395 = arith.maximumf %max3A_355, %mul3A_394 : vector<1x4096xf32>
    %get3A_396 = arith.constant 9 : index
    %get3A_397 = arith.constant 0 : index
    %get3A_398 = vector.load %arg1[%get3A_396, %get3A_397] : memref<16x4096xf32, #tpu.memory_space<vmem>>, vector<1x4096xf32>
    %slice3A_399 = vector.extract_strided_slice %get3A_4 {offsets = [9, 0], sizes = [1, 1], strides = [1, 1]} : vector<16x128xf32> to vector<1x1xf32>
    %squeeze3A_400 = vector.extract %slice3A_399[0, 0] : f32 from vector<1x1xf32>
    %sub3A_401 = vector.broadcast %squeeze3A_400 : f32 to vector<1x4096xf32>
    %sub3A_402 = arith.subf %get3A_17, %sub3A_401 : vector<1x4096xf32>
    %abs3A_403 = math.absf %sub3A_402 : vector<1x4096xf32>
    %concatenate3A_404 = tpu.concatenate %get3A_398, %abs3A_403, %broadcast_in_dim3A_44 in 0 : vector<1x4096xf32>, vector<1x4096xf32>, vector<1x4096xf32> -> vector<3x4096xf32>
    %slice3A_405 = vector.extract_strided_slice %dot_general3A_14 {offsets = [0, 9], sizes = [128, 1], strides = [1, 1]} : vector<128x16xf32> to vector<128x1xf32>
    %concatenate3A_406 = tpu.concatenate %get3A_20, %get3A_23, %slice3A_405 in 1 : vector<128x1xf32>, vector<128x1xf32>, vector<128x1xf32> -> vector<128x3xf32>
    %dot_general3A_407 = arith.constant dense<0.000000e+00> : vector<128x4096xf32>
    %dot_general3A_408 = tpu.matmul %concatenate3A_406, %concatenate3A_404, %dot_general3A_407 {dimension_numbers = #tpu.dot_dimension_numbers<[1], [0], [0], [1], [0, 0, 1, 1], [], []>, transpose_lhs_hint = false} : vector<128x3xf32>, vector<3x4096xf32>, vector<128x4096xf32> -> vector<128x4096xf32>
    %add3A_409 = arith.addf %add3A_27, %dot_general3A_408 : vector<128x4096xf32>
    %max3A_410 = arith.constant 0.000000e+00 : f32
    %max3A_411 = vector.broadcast %max3A_410 : f32 to vector<128x4096xf32>
    %max3A_412 = arith.maximumf %add3A_409, %max3A_411 : vector<128x4096xf32>
    %convert_element_type3A_413 = arith.truncf %max3A_412 : vector<128x4096xf32> to vector<128x4096xbf16>
    %dot_general3A_414 = arith.constant dense<0.000000e+00> : vector<32x4096xf32>
    %dot_general3A_415 = tpu.matmul %convert_element_type3A_31, %convert_element_type3A_413, %dot_general3A_414 {dimension_numbers = #tpu.dot_dimension_numbers<[1], [0], [0], [1], [0, 0, 1, 1], [], []>, transpose_lhs_hint = false} : vector<32x128xbf16>, vector<128x4096xbf16>, vector<32x4096xf32> -> vector<32x4096xf32>
    %add3A_416 = vector.broadcast %get3A_34 : vector<32x1xf32> to vector<32x4096xf32>
    %add3A_417 = arith.addf %dot_general3A_415, %add3A_416 : vector<32x4096xf32>
    %max3A_418 = arith.constant 0.000000e+00 : f32
    %max3A_419 = vector.broadcast %max3A_418 : f32 to vector<32x4096xf32>
    %max3A_420 = arith.maximumf %add3A_417, %max3A_419 : vector<32x4096xf32>
    %mul3A_421 = vector.broadcast %get3A_37 : vector<32x1xf32> to vector<32x4096xf32>
    %mul3A_422 = arith.mulf %max3A_420, %mul3A_421 : vector<32x4096xf32>
    %reduce_sum3A_423 = arith.constant dense<0.000000e+00> : vector<4096xf32>
    %reduce_sum3A_424 = vector.multi_reduction <add>, %mul3A_422, %reduce_sum3A_423 [0] : vector<32x4096xf32> to vector<4096xf32>
    %broadcast_in_dim3A_425 = vector.shape_cast %reduce_sum3A_424 : vector<4096xf32> to vector<1x4096xf32>
    %add3A_426 = vector.broadcast %get3A_41 : f32 to vector<1x4096xf32>
    %add3A_427 = arith.addf %broadcast_in_dim3A_425, %add3A_426 : vector<1x4096xf32>
    %logistic3A_428 = arith.negf %add3A_427 : vector<1x4096xf32>
    %logistic3A_429 = math.exp %logistic3A_428 : vector<1x4096xf32>
    %logistic3A_430 = arith.constant 1.000000e+00 : f32
    %logistic3A_431 = vector.broadcast %logistic3A_430 : f32 to vector<1x4096xf32>
    %logistic3A_432 = arith.addf %logistic3A_431, %logistic3A_429 : vector<1x4096xf32>
    %logistic3A_433 = arith.divf %logistic3A_431, %logistic3A_432 : vector<1x4096xf32>
    %mul3A_434 = arith.mulf %logistic3A_433, %get3A_398 : vector<1x4096xf32>
    %max3A_435 = arith.maximumf %max3A_395, %mul3A_434 : vector<1x4096xf32>
    %get3A_436 = arith.constant 10 : index
    %get3A_437 = arith.constant 0 : index
    %get3A_438 = vector.load %arg1[%get3A_436, %get3A_437] : memref<16x4096xf32, #tpu.memory_space<vmem>>, vector<1x4096xf32>
    %slice3A_439 = vector.extract_strided_slice %get3A_4 {offsets = [10, 0], sizes = [1, 1], strides = [1, 1]} : vector<16x128xf32> to vector<1x1xf32>
    %squeeze3A_440 = vector.extract %slice3A_439[0, 0] : f32 from vector<1x1xf32>
    %sub3A_441 = vector.broadcast %squeeze3A_440 : f32 to vector<1x4096xf32>
    %sub3A_442 = arith.subf %get3A_17, %sub3A_441 : vector<1x4096xf32>
    %abs3A_443 = math.absf %sub3A_442 : vector<1x4096xf32>
    %concatenate3A_444 = tpu.concatenate %get3A_438, %abs3A_443, %broadcast_in_dim3A_44 in 0 : vector<1x4096xf32>, vector<1x4096xf32>, vector<1x4096xf32> -> vector<3x4096xf32>
    %slice3A_445 = vector.extract_strided_slice %dot_general3A_14 {offsets = [0, 10], sizes = [128, 1], strides = [1, 1]} : vector<128x16xf32> to vector<128x1xf32>
    %concatenate3A_446 = tpu.concatenate %get3A_20, %get3A_23, %slice3A_445 in 1 : vector<128x1xf32>, vector<128x1xf32>, vector<128x1xf32> -> vector<128x3xf32>
    %dot_general3A_447 = arith.constant dense<0.000000e+00> : vector<128x4096xf32>
    %dot_general3A_448 = tpu.matmul %concatenate3A_446, %concatenate3A_444, %dot_general3A_447 {dimension_numbers = #tpu.dot_dimension_numbers<[1], [0], [0], [1], [0, 0, 1, 1], [], []>, transpose_lhs_hint = false} : vector<128x3xf32>, vector<3x4096xf32>, vector<128x4096xf32> -> vector<128x4096xf32>
    %add3A_449 = arith.addf %add3A_27, %dot_general3A_448 : vector<128x4096xf32>
    %max3A_450 = arith.constant 0.000000e+00 : f32
    %max3A_451 = vector.broadcast %max3A_450 : f32 to vector<128x4096xf32>
    %max3A_452 = arith.maximumf %add3A_449, %max3A_451 : vector<128x4096xf32>
    %convert_element_type3A_453 = arith.truncf %max3A_452 : vector<128x4096xf32> to vector<128x4096xbf16>
    %dot_general3A_454 = arith.constant dense<0.000000e+00> : vector<32x4096xf32>
    %dot_general3A_455 = tpu.matmul %convert_element_type3A_31, %convert_element_type3A_453, %dot_general3A_454 {dimension_numbers = #tpu.dot_dimension_numbers<[1], [0], [0], [1], [0, 0, 1, 1], [], []>, transpose_lhs_hint = false} : vector<32x128xbf16>, vector<128x4096xbf16>, vector<32x4096xf32> -> vector<32x4096xf32>
    %add3A_456 = vector.broadcast %get3A_34 : vector<32x1xf32> to vector<32x4096xf32>
    %add3A_457 = arith.addf %dot_general3A_455, %add3A_456 : vector<32x4096xf32>
    %max3A_458 = arith.constant 0.000000e+00 : f32
    %max3A_459 = vector.broadcast %max3A_458 : f32 to vector<32x4096xf32>
    %max3A_460 = arith.maximumf %add3A_457, %max3A_459 : vector<32x4096xf32>
    %mul3A_461 = vector.broadcast %get3A_37 : vector<32x1xf32> to vector<32x4096xf32>
    %mul3A_462 = arith.mulf %max3A_460, %mul3A_461 : vector<32x4096xf32>
    %reduce_sum3A_463 = arith.constant dense<0.000000e+00> : vector<4096xf32>
    %reduce_sum3A_464 = vector.multi_reduction <add>, %mul3A_462, %reduce_sum3A_463 [0] : vector<32x4096xf32> to vector<4096xf32>
    %broadcast_in_dim3A_465 = vector.shape_cast %reduce_sum3A_464 : vector<4096xf32> to vector<1x4096xf32>
    %add3A_466 = vector.broadcast %get3A_41 : f32 to vector<1x4096xf32>
    %add3A_467 = arith.addf %broadcast_in_dim3A_465, %add3A_466 : vector<1x4096xf32>
    %logistic3A_468 = arith.negf %add3A_467 : vector<1x4096xf32>
    %logistic3A_469 = math.exp %logistic3A_468 : vector<1x4096xf32>
    %logistic3A_470 = arith.constant 1.000000e+00 : f32
    %logistic3A_471 = vector.broadcast %logistic3A_470 : f32 to vector<1x4096xf32>
    %logistic3A_472 = arith.addf %logistic3A_471, %logistic3A_469 : vector<1x4096xf32>
    %logistic3A_473 = arith.divf %logistic3A_471, %logistic3A_472 : vector<1x4096xf32>
    %mul3A_474 = arith.mulf %logistic3A_473, %get3A_438 : vector<1x4096xf32>
    %max3A_475 = arith.maximumf %max3A_435, %mul3A_474 : vector<1x4096xf32>
    %get3A_476 = arith.constant 11 : index
    %get3A_477 = arith.constant 0 : index
    %get3A_478 = vector.load %arg1[%get3A_476, %get3A_477] : memref<16x4096xf32, #tpu.memory_space<vmem>>, vector<1x4096xf32>
    %slice3A_479 = vector.extract_strided_slice %get3A_4 {offsets = [11, 0], sizes = [1, 1], strides = [1, 1]} : vector<16x128xf32> to vector<1x1xf32>
    %squeeze3A_480 = vector.extract %slice3A_479[0, 0] : f32 from vector<1x1xf32>
    %sub3A_481 = vector.broadcast %squeeze3A_480 : f32 to vector<1x4096xf32>
    %sub3A_482 = arith.subf %get3A_17, %sub3A_481 : vector<1x4096xf32>
    %abs3A_483 = math.absf %sub3A_482 : vector<1x4096xf32>
    %concatenate3A_484 = tpu.concatenate %get3A_478, %abs3A_483, %broadcast_in_dim3A_44 in 0 : vector<1x4096xf32>, vector<1x4096xf32>, vector<1x4096xf32> -> vector<3x4096xf32>
    %slice3A_485 = vector.extract_strided_slice %dot_general3A_14 {offsets = [0, 11], sizes = [128, 1], strides = [1, 1]} : vector<128x16xf32> to vector<128x1xf32>
    %concatenate3A_486 = tpu.concatenate %get3A_20, %get3A_23, %slice3A_485 in 1 : vector<128x1xf32>, vector<128x1xf32>, vector<128x1xf32> -> vector<128x3xf32>
    %dot_general3A_487 = arith.constant dense<0.000000e+00> : vector<128x4096xf32>
    %dot_general3A_488 = tpu.matmul %concatenate3A_486, %concatenate3A_484, %dot_general3A_487 {dimension_numbers = #tpu.dot_dimension_numbers<[1], [0], [0], [1], [0, 0, 1, 1], [], []>, transpose_lhs_hint = false} : vector<128x3xf32>, vector<3x4096xf32>, vector<128x4096xf32> -> vector<128x4096xf32>
    %add3A_489 = arith.addf %add3A_27, %dot_general3A_488 : vector<128x4096xf32>
    %max3A_490 = arith.constant 0.000000e+00 : f32
    %max3A_491 = vector.broadcast %max3A_490 : f32 to vector<128x4096xf32>
    %max3A_492 = arith.maximumf %add3A_489, %max3A_491 : vector<128x4096xf32>
    %convert_element_type3A_493 = arith.truncf %max3A_492 : vector<128x4096xf32> to vector<128x4096xbf16>
    %dot_general3A_494 = arith.constant dense<0.000000e+00> : vector<32x4096xf32>
    %dot_general3A_495 = tpu.matmul %convert_element_type3A_31, %convert_element_type3A_493, %dot_general3A_494 {dimension_numbers = #tpu.dot_dimension_numbers<[1], [0], [0], [1], [0, 0, 1, 1], [], []>, transpose_lhs_hint = false} : vector<32x128xbf16>, vector<128x4096xbf16>, vector<32x4096xf32> -> vector<32x4096xf32>
    %add3A_496 = vector.broadcast %get3A_34 : vector<32x1xf32> to vector<32x4096xf32>
    %add3A_497 = arith.addf %dot_general3A_495, %add3A_496 : vector<32x4096xf32>
    %max3A_498 = arith.constant 0.000000e+00 : f32
    %max3A_499 = vector.broadcast %max3A_498 : f32 to vector<32x4096xf32>
    %max3A_500 = arith.maximumf %add3A_497, %max3A_499 : vector<32x4096xf32>
    %mul3A_501 = vector.broadcast %get3A_37 : vector<32x1xf32> to vector<32x4096xf32>
    %mul3A_502 = arith.mulf %max3A_500, %mul3A_501 : vector<32x4096xf32>
    %reduce_sum3A_503 = arith.constant dense<0.000000e+00> : vector<4096xf32>
    %reduce_sum3A_504 = vector.multi_reduction <add>, %mul3A_502, %reduce_sum3A_503 [0] : vector<32x4096xf32> to vector<4096xf32>
    %broadcast_in_dim3A_505 = vector.shape_cast %reduce_sum3A_504 : vector<4096xf32> to vector<1x4096xf32>
    %add3A_506 = vector.broadcast %get3A_41 : f32 to vector<1x4096xf32>
    %add3A_507 = arith.addf %broadcast_in_dim3A_505, %add3A_506 : vector<1x4096xf32>
    %logistic3A_508 = arith.negf %add3A_507 : vector<1x4096xf32>
    %logistic3A_509 = math.exp %logistic3A_508 : vector<1x4096xf32>
    %logistic3A_510 = arith.constant 1.000000e+00 : f32
    %logistic3A_511 = vector.broadcast %logistic3A_510 : f32 to vector<1x4096xf32>
    %logistic3A_512 = arith.addf %logistic3A_511, %logistic3A_509 : vector<1x4096xf32>
    %logistic3A_513 = arith.divf %logistic3A_511, %logistic3A_512 : vector<1x4096xf32>
    %mul3A_514 = arith.mulf %logistic3A_513, %get3A_478 : vector<1x4096xf32>
    %max3A_515 = arith.maximumf %max3A_475, %mul3A_514 : vector<1x4096xf32>
    %get3A_516 = arith.constant 12 : index
    %get3A_517 = arith.constant 0 : index
    %get3A_518 = vector.load %arg1[%get3A_516, %get3A_517] : memref<16x4096xf32, #tpu.memory_space<vmem>>, vector<1x4096xf32>
    %slice3A_519 = vector.extract_strided_slice %get3A_4 {offsets = [12, 0], sizes = [1, 1], strides = [1, 1]} : vector<16x128xf32> to vector<1x1xf32>
    %squeeze3A_520 = vector.extract %slice3A_519[0, 0] : f32 from vector<1x1xf32>
    %sub3A_521 = vector.broadcast %squeeze3A_520 : f32 to vector<1x4096xf32>
    %sub3A_522 = arith.subf %get3A_17, %sub3A_521 : vector<1x4096xf32>
    %abs3A_523 = math.absf %sub3A_522 : vector<1x4096xf32>
    %concatenate3A_524 = tpu.concatenate %get3A_518, %abs3A_523, %broadcast_in_dim3A_44 in 0 : vector<1x4096xf32>, vector<1x4096xf32>, vector<1x4096xf32> -> vector<3x4096xf32>
    %slice3A_525 = vector.extract_strided_slice %dot_general3A_14 {offsets = [0, 12], sizes = [128, 1], strides = [1, 1]} : vector<128x16xf32> to vector<128x1xf32>
    %concatenate3A_526 = tpu.concatenate %get3A_20, %get3A_23, %slice3A_525 in 1 : vector<128x1xf32>, vector<128x1xf32>, vector<128x1xf32> -> vector<128x3xf32>
    %dot_general3A_527 = arith.constant dense<0.000000e+00> : vector<128x4096xf32>
    %dot_general3A_528 = tpu.matmul %concatenate3A_526, %concatenate3A_524, %dot_general3A_527 {dimension_numbers = #tpu.dot_dimension_numbers<[1], [0], [0], [1], [0, 0, 1, 1], [], []>, transpose_lhs_hint = false} : vector<128x3xf32>, vector<3x4096xf32>, vector<128x4096xf32> -> vector<128x4096xf32>
    %add3A_529 = arith.addf %add3A_27, %dot_general3A_528 : vector<128x4096xf32>
    %max3A_530 = arith.constant 0.000000e+00 : f32
    %max3A_531 = vector.broadcast %max3A_530 : f32 to vector<128x4096xf32>
    %max3A_532 = arith.maximumf %add3A_529, %max3A_531 : vector<128x4096xf32>
    %convert_element_type3A_533 = arith.truncf %max3A_532 : vector<128x4096xf32> to vector<128x4096xbf16>
    %dot_general3A_534 = arith.constant dense<0.000000e+00> : vector<32x4096xf32>
    %dot_general3A_535 = tpu.matmul %convert_element_type3A_31, %convert_element_type3A_533, %dot_general3A_534 {dimension_numbers = #tpu.dot_dimension_numbers<[1], [0], [0], [1], [0, 0, 1, 1], [], []>, transpose_lhs_hint = false} : vector<32x128xbf16>, vector<128x4096xbf16>, vector<32x4096xf32> -> vector<32x4096xf32>
    %add3A_536 = vector.broadcast %get3A_34 : vector<32x1xf32> to vector<32x4096xf32>
    %add3A_537 = arith.addf %dot_general3A_535, %add3A_536 : vector<32x4096xf32>
    %max3A_538 = arith.constant 0.000000e+00 : f32
    %max3A_539 = vector.broadcast %max3A_538 : f32 to vector<32x4096xf32>
    %max3A_540 = arith.maximumf %add3A_537, %max3A_539 : vector<32x4096xf32>
    %mul3A_541 = vector.broadcast %get3A_37 : vector<32x1xf32> to vector<32x4096xf32>
    %mul3A_542 = arith.mulf %max3A_540, %mul3A_541 : vector<32x4096xf32>
    %reduce_sum3A_543 = arith.constant dense<0.000000e+00> : vector<4096xf32>
    %reduce_sum3A_544 = vector.multi_reduction <add>, %mul3A_542, %reduce_sum3A_543 [0] : vector<32x4096xf32> to vector<4096xf32>
    %broadcast_in_dim3A_545 = vector.shape_cast %reduce_sum3A_544 : vector<4096xf32> to vector<1x4096xf32>
    %add3A_546 = vector.broadcast %get3A_41 : f32 to vector<1x4096xf32>
    %add3A_547 = arith.addf %broadcast_in_dim3A_545, %add3A_546 : vector<1x4096xf32>
    %logistic3A_548 = arith.negf %add3A_547 : vector<1x4096xf32>
    %logistic3A_549 = math.exp %logistic3A_548 : vector<1x4096xf32>
    %logistic3A_550 = arith.constant 1.000000e+00 : f32
    %logistic3A_551 = vector.broadcast %logistic3A_550 : f32 to vector<1x4096xf32>
    %logistic3A_552 = arith.addf %logistic3A_551, %logistic3A_549 : vector<1x4096xf32>
    %logistic3A_553 = arith.divf %logistic3A_551, %logistic3A_552 : vector<1x4096xf32>
    %mul3A_554 = arith.mulf %logistic3A_553, %get3A_518 : vector<1x4096xf32>
    %max3A_555 = arith.maximumf %max3A_515, %mul3A_554 : vector<1x4096xf32>
    %get3A_556 = arith.constant 13 : index
    %get3A_557 = arith.constant 0 : index
    %get3A_558 = vector.load %arg1[%get3A_556, %get3A_557] : memref<16x4096xf32, #tpu.memory_space<vmem>>, vector<1x4096xf32>
    %slice3A_559 = vector.extract_strided_slice %get3A_4 {offsets = [13, 0], sizes = [1, 1], strides = [1, 1]} : vector<16x128xf32> to vector<1x1xf32>
    %squeeze3A_560 = vector.extract %slice3A_559[0, 0] : f32 from vector<1x1xf32>
    %sub3A_561 = vector.broadcast %squeeze3A_560 : f32 to vector<1x4096xf32>
    %sub3A_562 = arith.subf %get3A_17, %sub3A_561 : vector<1x4096xf32>
    %abs3A_563 = math.absf %sub3A_562 : vector<1x4096xf32>
    %concatenate3A_564 = tpu.concatenate %get3A_558, %abs3A_563, %broadcast_in_dim3A_44 in 0 : vector<1x4096xf32>, vector<1x4096xf32>, vector<1x4096xf32> -> vector<3x4096xf32>
    %slice3A_565 = vector.extract_strided_slice %dot_general3A_14 {offsets = [0, 13], sizes = [128, 1], strides = [1, 1]} : vector<128x16xf32> to vector<128x1xf32>
    %concatenate3A_566 = tpu.concatenate %get3A_20, %get3A_23, %slice3A_565 in 1 : vector<128x1xf32>, vector<128x1xf32>, vector<128x1xf32> -> vector<128x3xf32>
    %dot_general3A_567 = arith.constant dense<0.000000e+00> : vector<128x4096xf32>
    %dot_general3A_568 = tpu.matmul %concatenate3A_566, %concatenate3A_564, %dot_general3A_567 {dimension_numbers = #tpu.dot_dimension_numbers<[1], [0], [0], [1], [0, 0, 1, 1], [], []>, transpose_lhs_hint = false} : vector<128x3xf32>, vector<3x4096xf32>, vector<128x4096xf32> -> vector<128x4096xf32>
    %add3A_569 = arith.addf %add3A_27, %dot_general3A_568 : vector<128x4096xf32>
    %max3A_570 = arith.constant 0.000000e+00 : f32
    %max3A_571 = vector.broadcast %max3A_570 : f32 to vector<128x4096xf32>
    %max3A_572 = arith.maximumf %add3A_569, %max3A_571 : vector<128x4096xf32>
    %convert_element_type3A_573 = arith.truncf %max3A_572 : vector<128x4096xf32> to vector<128x4096xbf16>
    %dot_general3A_574 = arith.constant dense<0.000000e+00> : vector<32x4096xf32>
    %dot_general3A_575 = tpu.matmul %convert_element_type3A_31, %convert_element_type3A_573, %dot_general3A_574 {dimension_numbers = #tpu.dot_dimension_numbers<[1], [0], [0], [1], [0, 0, 1, 1], [], []>, transpose_lhs_hint = false} : vector<32x128xbf16>, vector<128x4096xbf16>, vector<32x4096xf32> -> vector<32x4096xf32>
    %add3A_576 = vector.broadcast %get3A_34 : vector<32x1xf32> to vector<32x4096xf32>
    %add3A_577 = arith.addf %dot_general3A_575, %add3A_576 : vector<32x4096xf32>
    %max3A_578 = arith.constant 0.000000e+00 : f32
    %max3A_579 = vector.broadcast %max3A_578 : f32 to vector<32x4096xf32>
    %max3A_580 = arith.maximumf %add3A_577, %max3A_579 : vector<32x4096xf32>
    %mul3A_581 = vector.broadcast %get3A_37 : vector<32x1xf32> to vector<32x4096xf32>
    %mul3A_582 = arith.mulf %max3A_580, %mul3A_581 : vector<32x4096xf32>
    %reduce_sum3A_583 = arith.constant dense<0.000000e+00> : vector<4096xf32>
    %reduce_sum3A_584 = vector.multi_reduction <add>, %mul3A_582, %reduce_sum3A_583 [0] : vector<32x4096xf32> to vector<4096xf32>
    %broadcast_in_dim3A_585 = vector.shape_cast %reduce_sum3A_584 : vector<4096xf32> to vector<1x4096xf32>
    %add3A_586 = vector.broadcast %get3A_41 : f32 to vector<1x4096xf32>
    %add3A_587 = arith.addf %broadcast_in_dim3A_585, %add3A_586 : vector<1x4096xf32>
    %logistic3A_588 = arith.negf %add3A_587 : vector<1x4096xf32>
    %logistic3A_589 = math.exp %logistic3A_588 : vector<1x4096xf32>
    %logistic3A_590 = arith.constant 1.000000e+00 : f32
    %logistic3A_591 = vector.broadcast %logistic3A_590 : f32 to vector<1x4096xf32>
    %logistic3A_592 = arith.addf %logistic3A_591, %logistic3A_589 : vector<1x4096xf32>
    %logistic3A_593 = arith.divf %logistic3A_591, %logistic3A_592 : vector<1x4096xf32>
    %mul3A_594 = arith.mulf %logistic3A_593, %get3A_558 : vector<1x4096xf32>
    %max3A_595 = arith.maximumf %max3A_555, %mul3A_594 : vector<1x4096xf32>
    %get3A_596 = arith.constant 14 : index
    %get3A_597 = arith.constant 0 : index
    %get3A_598 = vector.load %arg1[%get3A_596, %get3A_597] : memref<16x4096xf32, #tpu.memory_space<vmem>>, vector<1x4096xf32>
    %slice3A_599 = vector.extract_strided_slice %get3A_4 {offsets = [14, 0], sizes = [1, 1], strides = [1, 1]} : vector<16x128xf32> to vector<1x1xf32>
    %squeeze3A_600 = vector.extract %slice3A_599[0, 0] : f32 from vector<1x1xf32>
    %sub3A_601 = vector.broadcast %squeeze3A_600 : f32 to vector<1x4096xf32>
    %sub3A_602 = arith.subf %get3A_17, %sub3A_601 : vector<1x4096xf32>
    %abs3A_603 = math.absf %sub3A_602 : vector<1x4096xf32>
    %concatenate3A_604 = tpu.concatenate %get3A_598, %abs3A_603, %broadcast_in_dim3A_44 in 0 : vector<1x4096xf32>, vector<1x4096xf32>, vector<1x4096xf32> -> vector<3x4096xf32>
    %slice3A_605 = vector.extract_strided_slice %dot_general3A_14 {offsets = [0, 14], sizes = [128, 1], strides = [1, 1]} : vector<128x16xf32> to vector<128x1xf32>
    %concatenate3A_606 = tpu.concatenate %get3A_20, %get3A_23, %slice3A_605 in 1 : vector<128x1xf32>, vector<128x1xf32>, vector<128x1xf32> -> vector<128x3xf32>
    %dot_general3A_607 = arith.constant dense<0.000000e+00> : vector<128x4096xf32>
    %dot_general3A_608 = tpu.matmul %concatenate3A_606, %concatenate3A_604, %dot_general3A_607 {dimension_numbers = #tpu.dot_dimension_numbers<[1], [0], [0], [1], [0, 0, 1, 1], [], []>, transpose_lhs_hint = false} : vector<128x3xf32>, vector<3x4096xf32>, vector<128x4096xf32> -> vector<128x4096xf32>
    %add3A_609 = arith.addf %add3A_27, %dot_general3A_608 : vector<128x4096xf32>
    %max3A_610 = arith.constant 0.000000e+00 : f32
    %max3A_611 = vector.broadcast %max3A_610 : f32 to vector<128x4096xf32>
    %max3A_612 = arith.maximumf %add3A_609, %max3A_611 : vector<128x4096xf32>
    %convert_element_type3A_613 = arith.truncf %max3A_612 : vector<128x4096xf32> to vector<128x4096xbf16>
    %dot_general3A_614 = arith.constant dense<0.000000e+00> : vector<32x4096xf32>
    %dot_general3A_615 = tpu.matmul %convert_element_type3A_31, %convert_element_type3A_613, %dot_general3A_614 {dimension_numbers = #tpu.dot_dimension_numbers<[1], [0], [0], [1], [0, 0, 1, 1], [], []>, transpose_lhs_hint = false} : vector<32x128xbf16>, vector<128x4096xbf16>, vector<32x4096xf32> -> vector<32x4096xf32>
    %add3A_616 = vector.broadcast %get3A_34 : vector<32x1xf32> to vector<32x4096xf32>
    %add3A_617 = arith.addf %dot_general3A_615, %add3A_616 : vector<32x4096xf32>
    %max3A_618 = arith.constant 0.000000e+00 : f32
    %max3A_619 = vector.broadcast %max3A_618 : f32 to vector<32x4096xf32>
    %max3A_620 = arith.maximumf %add3A_617, %max3A_619 : vector<32x4096xf32>
    %mul3A_621 = vector.broadcast %get3A_37 : vector<32x1xf32> to vector<32x4096xf32>
    %mul3A_622 = arith.mulf %max3A_620, %mul3A_621 : vector<32x4096xf32>
    %reduce_sum3A_623 = arith.constant dense<0.000000e+00> : vector<4096xf32>
    %reduce_sum3A_624 = vector.multi_reduction <add>, %mul3A_622, %reduce_sum3A_623 [0] : vector<32x4096xf32> to vector<4096xf32>
    %broadcast_in_dim3A_625 = vector.shape_cast %reduce_sum3A_624 : vector<4096xf32> to vector<1x4096xf32>
    %add3A_626 = vector.broadcast %get3A_41 : f32 to vector<1x4096xf32>
    %add3A_627 = arith.addf %broadcast_in_dim3A_625, %add3A_626 : vector<1x4096xf32>
    %logistic3A_628 = arith.negf %add3A_627 : vector<1x4096xf32>
    %logistic3A_629 = math.exp %logistic3A_628 : vector<1x4096xf32>
    %logistic3A_630 = arith.constant 1.000000e+00 : f32
    %logistic3A_631 = vector.broadcast %logistic3A_630 : f32 to vector<1x4096xf32>
    %logistic3A_632 = arith.addf %logistic3A_631, %logistic3A_629 : vector<1x4096xf32>
    %logistic3A_633 = arith.divf %logistic3A_631, %logistic3A_632 : vector<1x4096xf32>
    %mul3A_634 = arith.mulf %logistic3A_633, %get3A_598 : vector<1x4096xf32>
    %max3A_635 = arith.maximumf %max3A_595, %mul3A_634 : vector<1x4096xf32>
    %get3A_636 = arith.constant 15 : index
    %get3A_637 = arith.constant 0 : index
    %get3A_638 = vector.load %arg1[%get3A_636, %get3A_637] : memref<16x4096xf32, #tpu.memory_space<vmem>>, vector<1x4096xf32>
    %slice3A_639 = vector.extract_strided_slice %get3A_4 {offsets = [15, 0], sizes = [1, 1], strides = [1, 1]} : vector<16x128xf32> to vector<1x1xf32>
    %squeeze3A_640 = vector.extract %slice3A_639[0, 0] : f32 from vector<1x1xf32>
    %sub3A_641 = vector.broadcast %squeeze3A_640 : f32 to vector<1x4096xf32>
    %sub3A_642 = arith.subf %get3A_17, %sub3A_641 : vector<1x4096xf32>
    %abs3A_643 = math.absf %sub3A_642 : vector<1x4096xf32>
    %concatenate3A_644 = tpu.concatenate %get3A_638, %abs3A_643, %broadcast_in_dim3A_44 in 0 : vector<1x4096xf32>, vector<1x4096xf32>, vector<1x4096xf32> -> vector<3x4096xf32>
    %slice3A_645 = vector.extract_strided_slice %dot_general3A_14 {offsets = [0, 15], sizes = [128, 1], strides = [1, 1]} : vector<128x16xf32> to vector<128x1xf32>
    %concatenate3A_646 = tpu.concatenate %get3A_20, %get3A_23, %slice3A_645 in 1 : vector<128x1xf32>, vector<128x1xf32>, vector<128x1xf32> -> vector<128x3xf32>
    %dot_general3A_647 = arith.constant dense<0.000000e+00> : vector<128x4096xf32>
    %dot_general3A_648 = tpu.matmul %concatenate3A_646, %concatenate3A_644, %dot_general3A_647 {dimension_numbers = #tpu.dot_dimension_numbers<[1], [0], [0], [1], [0, 0, 1, 1], [], []>, transpose_lhs_hint = false} : vector<128x3xf32>, vector<3x4096xf32>, vector<128x4096xf32> -> vector<128x4096xf32>
    %add3A_649 = arith.addf %add3A_27, %dot_general3A_648 : vector<128x4096xf32>
    %max3A_650 = arith.constant 0.000000e+00 : f32
    %max3A_651 = vector.broadcast %max3A_650 : f32 to vector<128x4096xf32>
    %max3A_652 = arith.maximumf %add3A_649, %max3A_651 : vector<128x4096xf32>
    %convert_element_type3A_653 = arith.truncf %max3A_652 : vector<128x4096xf32> to vector<128x4096xbf16>
    %dot_general3A_654 = arith.constant dense<0.000000e+00> : vector<32x4096xf32>
    %dot_general3A_655 = tpu.matmul %convert_element_type3A_31, %convert_element_type3A_653, %dot_general3A_654 {dimension_numbers = #tpu.dot_dimension_numbers<[1], [0], [0], [1], [0, 0, 1, 1], [], []>, transpose_lhs_hint = false} : vector<32x128xbf16>, vector<128x4096xbf16>, vector<32x4096xf32> -> vector<32x4096xf32>
    %add3A_656 = vector.broadcast %get3A_34 : vector<32x1xf32> to vector<32x4096xf32>
    %add3A_657 = arith.addf %dot_general3A_655, %add3A_656 : vector<32x4096xf32>
    %max3A_658 = arith.constant 0.000000e+00 : f32
    %max3A_659 = vector.broadcast %max3A_658 : f32 to vector<32x4096xf32>
    %max3A_660 = arith.maximumf %add3A_657, %max3A_659 : vector<32x4096xf32>
    %mul3A_661 = vector.broadcast %get3A_37 : vector<32x1xf32> to vector<32x4096xf32>
    %mul3A_662 = arith.mulf %max3A_660, %mul3A_661 : vector<32x4096xf32>
    %reduce_sum3A_663 = arith.constant dense<0.000000e+00> : vector<4096xf32>
    %reduce_sum3A_664 = vector.multi_reduction <add>, %mul3A_662, %reduce_sum3A_663 [0] : vector<32x4096xf32> to vector<4096xf32>
    %broadcast_in_dim3A_665 = vector.shape_cast %reduce_sum3A_664 : vector<4096xf32> to vector<1x4096xf32>
    %add3A_666 = vector.broadcast %get3A_41 : f32 to vector<1x4096xf32>
    %add3A_667 = arith.addf %broadcast_in_dim3A_665, %add3A_666 : vector<1x4096xf32>
    %logistic3A_668 = arith.negf %add3A_667 : vector<1x4096xf32>
    %logistic3A_669 = math.exp %logistic3A_668 : vector<1x4096xf32>
    %logistic3A_670 = arith.constant 1.000000e+00 : f32
    %logistic3A_671 = vector.broadcast %logistic3A_670 : f32 to vector<1x4096xf32>
    %logistic3A_672 = arith.addf %logistic3A_671, %logistic3A_669 : vector<1x4096xf32>
    %logistic3A_673 = arith.divf %logistic3A_671, %logistic3A_672 : vector<1x4096xf32>
    %mul3A_674 = arith.mulf %logistic3A_673, %get3A_638 : vector<1x4096xf32>
    %max3A_675 = arith.maximumf %max3A_635, %mul3A_674 : vector<1x4096xf32>
    %iota3A = tpu.iota {dimensions = array<i32: 1>} : vector<1x4096xi32>
    %get3A_676 = arith.constant 0 : index
    %get3A_677 = arith.constant 0 : index
    %get3A_678 = vector.load %arg4[%get3A_676, %get3A_677] : memref<16x1xi32, #tpu.memory_space<vmem>>, vector<16x1xi32>
    %eq3A = vector.broadcast %iota3A : vector<1x4096xi32> to vector<16x4096xi32>
    %eq3A_679 = vector.broadcast %get3A_678 : vector<16x1xi32> to vector<16x4096xi32>
    %eq3A_680 = arith.cmpi eq, %eq3A, %eq3A_679 : vector<16x4096xi32>
    %reduce_or3A = arith.constant 1.000000e+00 : f32
    %reduce_or3A_681 = arith.constant 0.000000e+00 : f32
    %reduce_or3A_682 = vector.broadcast %reduce_or3A : f32 to vector<16x4096xf32>
    %reduce_or3A_683 = vector.broadcast %reduce_or3A_681 : f32 to vector<16x4096xf32>
    %reduce_or3A_684 = arith.select %eq3A_680, %reduce_or3A_682, %reduce_or3A_683 : vector<16x4096xi1>, vector<16x4096xf32>
    %reduce_or3A_685 = arith.constant dense<0xFF800000> : vector<4096xf32>
    %reduce_or3A_686 = vector.multi_reduction <maximumf>, %reduce_or3A_684, %reduce_or3A_685 [0] : vector<16x4096xf32> to vector<4096xf32>
    %reduce_or3A_687 = arith.constant 0.000000e+00 : f32
    %reduce_or3A_688 = vector.broadcast %reduce_or3A_687 : f32 to vector<4096xf32>
    %reduce_or3A_689 = arith.cmpf ogt, %reduce_or3A_686, %reduce_or3A_688 : vector<4096xf32>
    %broadcast_in_dim3A_690 = vector.shape_cast %reduce_or3A_689 : vector<4096xi1> to vector<1x4096xi1>
    %jit3A = arith.constant 1.000000e+00 : f32
    %jit3A_691 = arith.constant 0.000000e+00 : f32
    %broadcast_in_dim3A_692 = vector.broadcast %jit3A : f32 to vector<1x4096xf32>
    %broadcast_in_dim3A_693 = vector.broadcast %jit3A_691 : f32 to vector<1x4096xf32>
    %select_n3A = arith.select %broadcast_in_dim3A_690, %broadcast_in_dim3A_692, %broadcast_in_dim3A_693 : vector<1x4096xi1>, vector<1x4096xf32>
    %jit3A_694 = arith.constant 0.000000e+00 : f32
    %jit3A_695 = arith.constant 0x7F800000 : f32
    %broadcast_in_dim3A_696 = vector.broadcast %jit3A_694 : f32 to vector<1x4096xf32>
    %broadcast_in_dim3A_697 = vector.broadcast %jit3A_695 : f32 to vector<1x4096xf32>
    %select_n3A_698 = arith.select %broadcast_in_dim3A_690, %broadcast_in_dim3A_696, %broadcast_in_dim3A_697 : vector<1x4096xi1>, vector<1x4096xf32>
    %max3A_699 = arith.maximumf %select_n3A, %max3A_675 : vector<1x4096xf32>
    %swap3A = arith.constant 0 : index
    %swap3A_700 = arith.constant 0 : index
    %swap3A_701 = vector.load %arg14[%swap3A, %swap3A_700] : memref<1x4096xf32, #tpu.memory_space<vmem>>, vector<1x4096xf32>
    tpu.vector_store %arg14[%swap3A, %swap3A_700], %max3A_699 {strides = array<i32>} : memref<1x4096xf32, #tpu.memory_space<vmem>>, vector<1x4096xf32>,
    %gt3A = arith.cmpf ogt, %max3A_675, %select_n3A : vector<1x4096xf32>
    %min3A = arith.constant 1.000000e+00 : f32
    %min3A_702 = vector.broadcast %min3A : f32 to vector<1x4096xf32>
    %min3A_703 = arith.minimumf %select_n3A_698, %min3A_702 : vector<1x4096xf32>
    %select_n3A_704 = arith.select %gt3A, %min3A_703, %select_n3A_698 : vector<1x4096xi1>, vector<1x4096xf32>
    %swap3A_705 = arith.constant 0 : index
    %swap3A_706 = arith.constant 0 : index
    %swap3A_707 = vector.load %arg15[%swap3A_705, %swap3A_706] : memref<1x4096xf32, #tpu.memory_space<vmem>>, vector<1x4096xf32>
    tpu.vector_store %arg15[%swap3A_705, %swap3A_706], %select_n3A_704 {strides = array<i32>} : memref<1x4096xf32, #tpu.memory_space<vmem>>, vector<1x4096xf32>,
    %gt3A_708 = arith.constant 1.000000e-01 : f32
    %gt3A_709 = vector.broadcast %gt3A_708 : f32 to vector<1x4096xf32>
    %gt3A_710 = arith.cmpf ogt, %max3A_699, %gt3A_709 : vector<1x4096xf32>
    %convert_element_type3A_711 = arith.extui %gt3A_710 : vector<1x4096xi1> to vector<1x4096xi32>
    %reduce_sum3A_712 = vector.shape_cast %convert_element_type3A_711 : vector<1x4096xi32> to vector<1x1x4096xi32>
    %reduce_sum3A_713 = arith.constant dense<0> : vector<1xi32>
    %reduce_sum3A_714 = vector.multi_reduction <add>, %reduce_sum3A_712, %reduce_sum3A_713 [1, 2] : vector<1x1x4096xi32> to vector<1xi32>
    %reduce_sum3A_715 = vector.shape_cast %reduce_sum3A_714 : vector<1xi32> to vector<1x1x1xi32>
    %reduce_sum3A_716 = vector.extract %reduce_sum3A_715[0, 0, 0] : i32 from vector<1x1x1xi32>
    %reshape3A = vector.broadcast %reduce_sum3A_716 : i32 to vector<1x1xi32>
    %swap3A_717 = arith.constant 0 : index
    %swap3A_718 = arith.constant 0 : index
    %swap3A_719 = vector.load %arg16[%swap3A_717, %swap3A_718] : memref<1x1xi32, #tpu.memory_space<vmem>>, vector<1x1xi32>
    tpu.vector_store %arg16[%swap3A_717, %swap3A_718], %reshape3A {strides = array<i32>} : memref<1x1xi32, #tpu.memory_space<vmem>>, vector<1x1xi32>,
    return
  }
}

</mosaic_0001>

<sc_bundles>
// kernel: kernel.4.cloned.1.call-start
scs
__scs_entry_jumppad:
0x0: {  	(pc) =	sbr.rel $0x88, $3  }
0x1: {  	(tag) =	ssettag $0x0;
	lr =	simm.s32 $0x1  }
0x2: {  	[smem:$0x3F98] =	sst lr;
	_ =	strace $0xD0000000  }
0x3: {  	_ = 	snop  }
0x4: {  	_ = 	snop  }
0x5: {  	_ = 	snop  }
0x6: {  	_ = 	snop  }
0x7: {  	_ = 	snop  }
__scs_overlays_trampoline_lowered:
0x8: {  	[smem:$0x3FA7] =	sst s0  }
0x9: {  	[smem:$0x3FA8] =	sst s1  }
0xa: {  	[smem:$0x3FA9] =	sst s2  }
0xb: {  	[smem:$0x3FAA] =	sst s3  }
0xc: {  	[smem:$0x3FAB] =	sst s4  }
0xd: {  	[smem:$0x3FAC] =	sst s5  }
0xe: {  	[smem:$0x3FAD] =	sst s6  }
0xf: {  	[smem:$0x3FAE] =	sst s7  }
0x10: {  	[smem:$0x3FAF] =	sst s8  }
0x11: {  	[smem:$0x3FB0] =	sst s9;
	s0 =	simm.s32 @!p0 $0x0  }
0x12: {  	s1 =	sld [smem:$0x3F96];
	s0 =	simm.s32 @p0 $0x1  }
0x13: {  	[smem:$0x3FB1] =	sst s0;
	s0 =	simm.s32 @!p1 $0x0  }
0x14: {  	s2 =	sld [smem:$0x3F95];
	s0 =	simm.s32 @p1 $0x1  }
0x15: {  	[smem:$0x3FB2] =	sst s0;
	s0 =	simm.s32 @!p2 $0x0  }
0x16: {  	s3 =	sld [smem:$0x3FDB];
	s0 =	simm.s32 @p2 $0x1  }
0x17: {  	s4 =	simm.s32 $0x1BF5;
	[smem:$0x3FB4] =	sst s0  }
0x18: {  	s0 =	sld [smem:$0x3F97];
	_ =	swait.ge [sflag:s4], $0x0  }
0x19: {  	s7 =	sld [smem:$0x3F98]  }
0x1a: {  	s8 =	sadd.s32 $0xFFFFE003, lr  }
0x1b: {  	s9 =	sadd.s32 $0xFFFFFEF7, lr;
	s5 =	simm.s32 $0xFFFFFFFF;
	p2 =	slt.u32 s8, $0xFFFFF086  }
0x1c: {  	p1 =	slt.u32 s9, $0xF7A;
	s5 =	simm.s32 @!p2 $0x0  }
0x1d: {  	s5 =	simm.s32 @p1 $0x1;
	p0 =	seq.s32 s7, s2  }
0x1e: {  	s7 =	smul.u32 @!p0 $0xF7A, s2;
	p2 =	seq.s32 @!p0 s5, $0x0  }
0x1f: {  	s9 =	smul.u32 $0xF7A, s1;
	s8 =	simm.s32 @!p0 $0x1BF5;
	p2 =	por !p2, p0  }
0x20: {  	[sflag:s8] =	ssyncset.s32 @!p0 $0xFFFFF086;
	s6 =	sadd.s32 @!p0 s3, s7;
	s7 =	simm.s32 @!p0 $0x108  }
0x21: {  	s3 =	sadd.s32 s3, s9;
	s6 =	sadd.s32 @!p0 $0x88, s6;
	s7 =	simm.s32 @p2 $0x1082  }
0x22: {  	[simem:s7], [sflag:s8] =	dma.local @!p0 [hbm:s6], $0xF7A  }
0x23: {  	s9 =	sor.u32 $0xD0000000, s2;
	s6 =	simm.s32 $0x108;
	_ =	swait.ge @!p0 [sflag:s8], $0x0  }
0x24: {  	s3 =	sadd.s32 $0x88, s3;
	s6 =	simm.s32 @!p1 $0x1082;
	[sflag:s4] =	ssyncset.s32 $0xFFFFF086  }
0x25: {  	[simem:s6], [sflag:s4] =	dma.local [hbm:s3], $0xF7A  }
0x26: {  	[smem:$0x3F98] =	sst s1;
	(tag) =	ssettag s2;
	_ =	strace s9  }
0x27: {  	s1 =	sld [smem:$0x3FA8]  }
0x28: {  	s2 =	sld [smem:$0x3FA9]  }
0x29: {  	s4 =	sld [smem:$0x3FAB]  }
0x2a: {  	p0 =	seq.s32 s5, $0x0;
	s5 =	sld [smem:$0x3FAC]  }
0x2b: {  	s6 =	sld [smem:$0x3FAD]  }
0x2c: {  	s7 =	sld [smem:$0x3FAE]  }
0x2d: {  	s3 =	simm.s32 $0x108;
	s8 =	sld [smem:$0x3FAF]  }
0x2e: {  	s3 =	simm.s32 @!p0 $0x1082;
	s9 =	sld [smem:$0x3FB0]  }
0x2f: {  	lr =	sadd.s32 s0, s3;
	s0 =	sld [smem:$0x3FA7]  }
0x30: {  	s3 =	sld [smem:$0x3FAA]  }
0x31: {  	[smem:$0x3FB3] =	sst s10  }
0x32: {  	s10 =	sld [smem:$0x3FB1];
	_ =	sdelay $0x3  }
0x33: {  	p0 =	seq.s32 s10, $0x1;
	s10 =	sld [smem:$0x3FB3];
	_ =	sdelay $0x3  }
0x34: {  	[smem:$0x3FB3] =	sst s10  }
0x35: {  	s10 =	sld [smem:$0x3FB2];
	_ =	sdelay $0x3  }
0x36: {  	p1 =	seq.s32 s10, $0x1;
	s10 =	sld [smem:$0x3FB3];
	_ =	sdelay $0x3  }
0x37: {  	[smem:$0x3FB3] =	sst s10  }
0x38: {  	s10 =	sld [smem:$0x3FB4]  }
0x39: {  	_ = 	snop;
	(pc) =	sbr.ind lr, $3  }
0x3a: {  	_ = 	snop  }
0x3b: {  	_ = 	snop  }
0x3c: {  	p2 =	seq.s32 s10, $0x1;
	s10 =	sld [smem:$0x3FB3]  }
0x3d: {  	_ =	shalt  }
0x3e: {  	_ =	shalt  }
0x3f: {  	_ =	shalt  }
0x40: {  	_ =	shalt  }
0x41: {  	_ =	shalt  }
0x42: {  	_ =	shalt  }
0x43: {  	_ =	shalt  }
0x44: {  	_ =	shalt  }
0x45: {  	_ =	shalt  }
0x46: {  	_ =	shalt  }
0x47: {  	_ =	shalt  }
0x48: {  	_ =	shalt  }
0x49: {  	_ =	shalt  }
0x4a: {  	_ =	shalt  }
0x4b: {  	_ =	shalt  }
0x4c: {  	_ =	shalt  }
0x4d: {  	_ =	shalt  }
0x4e: {  	_ =	shalt  }
0x4f: {  	_ =	shalt  }
0x50: {  	_ =	shalt  }
0x51: {  	_ =	shalt  }
0x52: {  	_ =	shalt  }
0x53: {  	_ =	shalt  }
0x54: {  	_ =	shalt  }
0x55: {  	_ =	shalt  }
0x56: {  	_ =	shalt  }
0x57: {  	_ =	shalt  }
0x58: {  	_ =	shalt  }
0x59: {  	_ =	shalt  }
0x5a: {  	_ =	shalt  }
0x5b: {  	_ =	shalt  }
0x5c: {  	_ =	shalt  }
0x5d: {  	_ =	shalt  }
0x5e: {  	_ =	shalt  }
0x5f: {  	_ =	shalt  }
0x60: {  	_ =	shalt  }
0x61: {  	_ =	shalt  }
0x62: {  	_ =	shalt  }
0x63: {  	_ =	shalt  }
0x64: {  	_ =	shalt  }
0x65: {  	_ =	shalt  }
0x66: {  	_ =	shalt  }
0x67: {  	_ =	shalt  }
0x68: {  	_ =	shalt  }
0x69: {  	_ =	shalt  }
0x6a: {  	_ =	shalt  }
0x6b: {  	_ =	shalt  }
0x6c: {  	_ =	shalt  }
0x6d: {  	_ =	shalt  }
0x6e: {  	_ =	shalt  }
0x6f: {  	_ =	shalt  }
0x70: {  	_ =	shalt  }
0x71: {  	_ =	shalt  }
0x72: {  	_ =	shalt  }
0x73: {  	_ =	shalt  }
0x74: {  	_ =	shalt  }
0x75: {  	_ =	shalt  }
0x76: {  	_ =	shalt  }
0x77: {  	_ =	shalt  }
0x78: {  	_ =	shalt  }
0x79: {  	_ =	shalt  }
0x7a: {  	_ =	shalt  }
0x7b: {  	_ =	shalt  }
0x7c: {  	_ =	shalt  }
0x7d: {  	_ =	shalt  }
0x7e: {  	_ =	shalt  }
0x7f: {  	_ =	shalt  }
0x80: {  	_ =	shalt  }
0x81: {  	_ =	shalt  }
0x82: {  	_ =	shalt  }
0x83: {  	_ =	shalt  }
0x84: {  	_ =	shalt  }
0x85: {  	_ =	shalt  }
0x86: {  	_ =	shalt  }
0x87: {  	_ =	shalt  }
.Lfunc_end0:
.L_simem_size_0:
called_computation_lowered:
.L_overlay_start_0:
0x88: {  	s2 =	sld [smem:$0x3FD9]  }
0x89: {  	s3 =	sld [smem:$0x3FFE];
	_ =	sdelay $0x1  }
0x8a: {  	s1 =	srdreg.scid  }
0x8b: {  	s0 =	sand.u32 $0x1, s1  }
0x8c: {  	s14 =	sshll.u32 s0, $0xA;
	s2 =	sadd.s32 s3, s2  }
0x8d: {  	s2 =	sadd.s32 s2, s14  }
0x8e: {  	[smem:$0x3FBF] =	sst s2  }
0x8f: {  	_ = 	snop  }
0x90: {  	s2 =	sld [smem:$0x3FD0]  }
0x91: {  	s15 =	sld [smem:$0x3FC9]  }
0x92: {  	s4 =	sld [smem:$0x3FC8]  }
0x93: {  	s6 =	simm.s32 $0xA;
	s7 =	simm.s32 $0x10;
	s5 =	sld [smem:$0x3FC7]  }
0x94: {  	[smem:s7], [sflag:s6] =	dma.local [hbm:s2], $0x1  }
0x95: {  	_ =	swait.eq [sflag:s6], $0x1  }
0x96: {  	[sflag:s6] =	ssyncset.done $0x0  }
0x97: {  	s16 =	sld [smem:$0x10];
	[sflag:s6] =	ssyncadd.s32 $0xFFFFFFFF  }
0x98: {  	s17 =	sld [smem:$0x11];
	(tm) =	ssettm $0x1  }
0x99: {  	s18 =	sld [smem:$0x3FFB];
	_ =	sdelay $0x3  }
0x9a: {  	_ =	strace s18  }
0x9b: {  	s7 =	sld [smem:$0x3FFC];
	_ =	sdelay $0x3  }
0x9c: {  	_ =	strace s7  }
0x9d: {  	s7 =	sld [smem:$0x3FFD];
	_ =	sdelay $0x3  }
0x9e: {  	_ =	strace s7  }
0x9f: {  	_ =	strace $0x8FFFFFFF  }
0xa0: {  	s19 =	sld [smem:$0x3FDB];
	_ =	sdelay $0x1  }
0xa1: {  	s8 =	simm.s32 $_scs_section_size  }
0xa2: {  	s9 =	simm.s32 $_size__tile_overlayer_lowered;
	s10 =	simm.s32 $_tile_overlayer_lowered  }
0xa3: {  	s22 =	simm.s32 $0x1BFF;
	s21 =	sshll.u32 s10, $0x1;
	s7 =	sadd.s32 s8, s19  }
0xa4: {  	s11 =	simm.s32 $0x0;
	s20 =	sshll.u32 s9, $0x1;
	s9 =	sadd.s32 s21, s7  }
0xa5: {  	[timem:s11], [sflag:s22] =	dma.local [hbm:s9], s20  }
0xa6: {  	_ =	swait.ge [sflag:s22], s20  }
0xa7: {  	s8 =	ssub.s32 $0x0, s20;
	[sflag:s22] =	ssyncset.done $0x0  }
0xa8: {  	[sflag:s22] =	ssyncadd.s32 s8;
	_ =	sdelay $0x1  }
0xa9: {  	s23 =	simm.s32 $0x1B8B  }
0xaa: {  	_ =	swait.ge [sflag:s23], $0x1  }
0xab: {  	[sflag:s23] =	ssyncset.done $0x0  }
0xac: {  	s25 =	simm.s32 $0x1B8E;
	s24 =	sld [smem:$0x3FFE];
	[sflag:s23] =	ssyncadd.s32 $0xFFFFFFFF  }
0xad: {  	s26 =	simm.s32 $execute0_lowered;
	[smem:$0x3FD2] =	sst s25  }
0xae: {  	s9 =	sshll.u32 s26, $0x1;
	_ =	strace $0x80000046;
	[dreg:$0x1] =	wrdreg $0xFFFFFFFF  }
0xaf: {  	s28 =	simm.s32 $_size_execute0_lowered;
	s7 =	sadd.s32 s7, s9;
	[dreg:$0x0] =	wrdreg $0x0  }
0xb0: {  	s9 =	sshll.u32 s28, $0x1;
	[dreg:$0x2] =	wrdreg s7  }
0xb1: {  	[dreg:$0x3] =	wrdreg s9  }
0xb2: {  	[dreg:$0x4] =	wrdreg $0xC0  }
0xb3: {  	_ =	task [dreg:s11], $0x5FFFF  }
0xb4: {  	[dreg:$0x1] =	wrdreg $0xFFFFFFFF  }
0xb5: {  	[dreg:$0x0] =	wrdreg $0x60  }
0xb6: {  	[dreg:$0x2] =	wrdreg s15  }
0xb7: {  	[dreg:$0x3] =	wrdreg s4  }
0xb8: {  	[dreg:$0x4] =	wrdreg s5  }
0xb9: {  	[dreg:$0x5] =	wrdreg s17  }
0xba: {  	[dreg:$0x6] =	wrdreg s24  }
0xbb: {  	[dreg:$0x7] =	wrdreg s16  }
0xbc: {  	[dreg:$0x8] =	wrdreg $0x9  }
0xbd: {  	_ =	task.clear_ibuf [dreg:s11], $0x9FFFF;
	_ =	strace $0x90000046  }
0xbe: {  	s29 =	simm.s32 $0x9;
	_ =	strace $0x80000048  }
0xbf: {  	_ =	swait.ge [sflag:s29], $0x1  }
0xc0: {  	[sflag:s29] =	ssyncadd.s32 $0xFFFFFFFF  }
0xc1: {  	_ =	strace $0x90000048  }
0xc2: {  	_ =	sfence  }
0xc3: {  	s30 =	sld [smem:$0x0];
	_ =	sdelay $0x2  }
0xc4: {  	s31 =	sshll.u32 s1, $0xD;
	s1 =	sshrl.u32 s1, $0x2  }
0xc5: {  	s3 =	sand.u32 $0x4000, s31;
	s1 =	sadd.s32 s1, s30  }
0xc6: {  	s0 =	sor.u32 s3, s0;
	s1 =	sshll.u32 s1, $0x11  }
0xc7: {  	s0 =	sor.u32 s1, s0  }
0xc8: {  	s0 =	sadd.s32 $0x8F2B, s0  }
0xc9: {  	[sflag:s0] =	ssyncadd.remote.s32 $0x1  }
0xca: {  	_ =	sfence.sel $0xFFFF  }
0xcb: {  	[dreg:$0x0] =	wrdreg $0xFFFFFFFF;
	(pc) =	sbr.abs _section_cstart, $3  }
0xcc: {  	[dreg:$0x1] =	wrdreg $0xFFFFFFFF  }
0xcd: {  	_ =	task.clear_ibuf [dreg:s11], $0x2FFFF;
	_ =	strace $0x9FFFFFFF  }
0xce: {  	(tm) =	ssettm $0x7FFFFFFF  }
0xcf: {  	_ =	shalt  }
tec
execute0_lowered:
.L_overlay_start_1:
0x0: {  	(tag) =	ssettag $0x1  }
0x1: {  	s5 =	rddreg [dreg:$0x0]  }
0x2: {  	s2 =	rddreg [dreg:$0x1]  }
0x3: {  	s1 =	srdreg.scid;
	s0 =	stileid.u32  }
0x4: {  	s4 =	rddreg [dreg:$0x2];
	s8 =	sand.u32 $0x1, s1;
	s9 =	sshll.u32 s0, $0x1  }
0x5: {  	s6 =	rddreg [dreg:$0x3];
	s9 =	sor.u32 s8, s9;
	s8 =	ssub.s32 $0x2, s8  }
0x6: {  	s7 =	rddreg [dreg:$0x4];
	s12 =	sshrl.u32 s8, $0x1  }
0x7: {  	s3 =	rddreg [dreg:$0x5];
	s8 =	ssub.s32 s8, s12  }
0x8: {  	s10 =	simm.s32 $0x0;
	s1 =	rddreg [dreg:$0x6];
	s31 =	smax.u32 s8, $0x1  }
0x9: {  	p2 =	por $0x0, $0x0;
	[smem:$0x7FF] =	sst s10;
	s22 =	sadd.s32 $0xFFFFFFFF, s31  }
0xa: {  	s11 =	sshrl.u32 s0, $0x2;
	s28 =	sshll.u32 s9, $0x7;
	p3 =	sne.s32 s22, $0x0  }
.Ltmp0:
0xb: {  	s29 =	sshll.u32 s11, $0xF;
	s10 =	sand.u32 $0x380, s28;
	(pc) =	sbr.rel @!p3 .LBB2_3-.Ltmp0, $4  }
0xc: {  	p1 =	sgt.u32 s0, $0x7;
	s11 =	sshll.u32 s11, $0xA;
	s12 =	sor.u32 s29, s10  }
0xd: {  	_ =	strace $0x80000047;
	s10 =	sor.u32 s11, s10;
	s30 =	sshrl.u32 s12, $0x3  }
0xe: {  	p0 =	sne.s32 s9, $0x10;
	s10 =	sshrl.u32 s10, $0x3;
	s11 =	sadd.s32 s30, s7  }
0xf: {  	vm0 =	vmmov @!p1 $0xffff;
	s8 =	sadd.s32 s6, s10;
	s7 =	sadd.s32 $0x800, s5;
	s6 =	sadd.s32 $0x1C00, s11  }
0x10: {  	s9 =	simm.s32 @!p1 $0x0;
	s10 =	simm.s32 @!p1 $0x2  }
0x11: {  	[tilespmem:s9], [sflag:$0x2] =	stream.linear.gather @!p1 [hbm4b:s8+s9], $0x80, $0x38;
	[tilespmem:$0x1900] =	vst v63  }
0x12: {  	_ =	swait.ge @!p1 [sflag:s10], $0x80  }
0x13: {  	[sflag:s10] =	ssyncset.done @!p1 $0x0  }
0x14: {  	[sflag:s10] =	ssyncadd.s32 @!p1 $0xFFFFFF80  }
0x15: {  	v0 =	vld.msk @!p1 [tilespmem:$0x0], $0x1;
	_ =	sdelay $0x4  }
0x16: {  	v1 =	vshll.u32 @!p1 v0, $0x5  }
0x17: {  	v0 =	vand.u32 @!p1 $0x7, v0;
	v1 =	vand.u32 @!p1 $0xFFFFFF00, v1  }
0x18: {  	v2 =	vlaneseq.u32 @!p1;
	v1 =	vor.u32 @!p1 v0, v1;
	v0 =	vimm.s32 @!p1 $0x0  }
0x19: {  	v3 =	vperm.xlane @!p1 v1, v0;
	v1 =	vmul.u32 @!p1 $0x8, v2;
	_ =	sdelay $0x1  }
0x1a: {  	v2 =	vadd.s32 @!p1 v1, v3;
	_ =	sdelay $0x3  }
0x1b: {  	s11 =	simm.s32 @!p1 $0x100  }
0x1c: {  	[tilespmem:s11], [sflag:$0x1] =	stream.indirect_vreg.gather @!p1 [hbm4b:s5+s9], $0x80, v2, vm0, $0xb8;
	[tilespmem:$0x1900] =	vst v63  }
0x1d: {  	s12 =	simm.s32 @!p1 $0x900;
	s13 =	simm.s32 @!p1 $0x1  }
0x1e: {  	[tilespmem:s12], [sflag:$0x1] =	stream.indirect_vreg.gather @!p1 [hbm4b:s7+s9], $0x80, v2, vm0, $0xb8;
	[tilespmem:$0x1900] =	vst v63  }
0x1f: {  	_ =	swait.ge @!p1 [sflag:s13], $0x1000  }
0x20: {  	[sflag:s13] =	ssyncset.done @!p1 $0x0  }
0x21: {  	s15 =	simm.s32 @!p1 $0x80;
	s16 =	simm.s32 @!p1 $0x400;
	[sflag:s13] =	ssyncadd.s32 @!p1 $0xFFFFF000  }
0x22: {  	[hbm4b:s6+s15] =	stream.strided.scatter @!p1 [tilespmem:s11], [sflag:$0x2], $0x1000, s16, s15, $0x38;
	[tilespmem:$0x1900] =	vst v63  }
0x23: {  	_ =	swait.ge @!p1 [sflag:s10], $0x1000  }
0x24: {  	s14 =	simm.s32 @!p0 $0x2;
	[sflag:s10] =	ssyncset.done @!p1 $0x0  }
0x25: {  	s17 =	simm.s32 @!p0 $0x0;
	s18 =	simm.s32 @!p0 $0x80;
	[sflag:s10] =	ssyncadd.s32 @!p1 $0xFFFFF000  }
0x26: {  	[tilespmem:s18], [sflag:$0x2] =	stream.linear.gather @!p0 [hbm4b:s4+s17], $0x80, $0x38;
	[tilespmem:$0x1900] =	vst v63  }
0x27: {  	_ =	swait.ge @!p0 [sflag:s14], $0x80  }
0x28: {  	s19 =	simm.s32 @!p0 $0x1;
	s20 =	simm.s32 @!p0 $0x10;
	[sflag:s14] =	ssyncset.done @!p0 $0x0  }
0x29: {  	s21 =	simm.s32 @!p0 $0x1100;
	s22 =	sadd.s32 $0xFFFFFFFF, s22;
	[sflag:s14] =	ssyncadd.s32 @!p0 $0xFFFFFF80  }
0x2a: {  	[tilespmem:s21], [sflag:$0x1] =	stream.indirect.gather @!p0 [hbm4b:s2+s20], $0x80, s18, s20, $0xb8;
	[tilespmem:$0x1900] =	vst v63  }
0x2b: {  	p3 =	sne.s32 s22, $0x0;
	_ =	swait.ge @!p0 [sflag:s19], $0x800  }
.Ltmp1:
0x2c: {  	[sflag:s19] =	ssyncset.done @!p0 $0x0;
	(pc) =	sbr.rel @!p3 .LBB2_3-.Ltmp1, $4  }
0x2d: {  	[sflag:s19] =	ssyncadd.s32 @!p0 $0xFFFFF800  }
0x2e: {  	[hbm4b:s3+s17] =	stream.linear.scatter @!p0 [tilespmem:s21], [sflag:$0x2], $0x800, $0x38;
	[tilespmem:$0x1900] =	vst v63  }
0x2f: {  	_ =	swait.ge @!p0 [sflag:s14], $0x800  }
0x30: {  	p2 =	por $0x1, $0x1;
	[sflag:s14] =	ssyncset.done @!p0 $0x0  }
.LBB2_2:
0x31: {  	[sflag:s14] =	ssyncadd.s32 @!p0 $0xFFFFF800  }
0x32: {  	[tilespmem:s9], [sflag:$0x2] =	stream.linear.gather @!p1 [hbm4b:s8+s9], $0x80, $0x38;
	[tilespmem:$0x1900] =	vst v63  }
0x33: {  	s22 =	sadd.s32 $0xFFFFFFFF, s22;
	_ =	swait.ge @!p1 [sflag:s10], $0x80  }
0x34: {  	p3 =	sne.s32 s22, $0x0;
	[sflag:s10] =	ssyncset.done @!p1 $0x0  }
0x35: {  	[sflag:s10] =	ssyncadd.s32 @!p1 $0xFFFFFF80  }
0x36: {  	v2 =	vld.msk @!p1 [tilespmem:$0x0], $0x1;
	_ =	sdelay $0x4  }
0x37: {  	v3 =	vshll.u32 @!p1 v2, $0x5  }
0x38: {  	v2 =	vand.u32 @!p1 $0x7, v2;
	v3 =	vand.u32 @!p1 $0xFFFFFF00, v3  }
0x39: {  	v2 =	vor.u32 @!p1 v2, v3  }
0x3a: {  	v2 =	vperm.xlane @!p1 v2, v0;
	_ =	sdelay $0x1  }
0x3b: {  	v2 =	vadd.s32 @!p1 v1, v2;
	_ =	sdelay $0x4  }
0x3c: {  	[tilespmem:s11], [sflag:$0x1] =	stream.indirect_vreg.gather @!p1 [hbm4b:s5+s9], $0x80, v2, vm0, $0xb8;
	[tilespmem:$0x1900] =	vst v63  }
0x3d: {  	_ = 	snop  }
0x3e: {  	[tilespmem:s12], [sflag:$0x1] =	stream.indirect_vreg.gather @!p1 [hbm4b:s7+s9], $0x80, v2, vm0, $0xb8;
	[tilespmem:$0x1900] =	vst v63  }
0x3f: {  	_ =	swait.ge @!p1 [sflag:s13], $0x1000  }
0x40: {  	[sflag:s13] =	ssyncset.done @!p1 $0x0  }
0x41: {  	[sflag:s13] =	ssyncadd.s32 @!p1 $0xFFFFF000  }
0x42: {  	[hbm4b:s6+s15] =	stream.strided.scatter @!p1 [tilespmem:s11], [sflag:$0x2], $0x1000, s16, s15, $0x38;
	[tilespmem:$0x1900] =	vst v63  }
0x43: {  	_ =	swait.ge @!p1 [sflag:s10], $0x1000  }
0x44: {  	[sflag:s10] =	ssyncset.done @!p1 $0x0  }
0x45: {  	[sflag:s10] =	ssyncadd.s32 @!p1 $0xFFFFF000  }
0x46: {  	[tilespmem:s18], [sflag:$0x2] =	stream.linear.gather @!p0 [hbm4b:s4+s17], $0x80, $0x38;
	[tilespmem:$0x1900] =	vst v63  }
0x47: {  	_ =	swait.ge @!p0 [sflag:s14], $0x80  }
0x48: {  	[sflag:s14] =	ssyncset.done @!p0 $0x0  }
0x49: {  	[sflag:s14] =	ssyncadd.s32 @!p0 $0xFFFFFF80  }
0x4a: {  	[tilespmem:s21], [sflag:$0x1] =	stream.indirect.gather @!p0 [hbm4b:s2+s20], $0x80, s18, s20, $0xb8;
	[tilespmem:$0x1900] =	vst v63  }
0x4b: {  	_ =	swait.ge @!p0 [sflag:s19], $0x800  }
.Ltmp2:
0x4c: {  	[sflag:s19] =	ssyncset.done @!p0 $0x0;
	(pc) =	sbr.rel @p3 .LBB2_2-.Ltmp2, $4  }
0x4d: {  	[sflag:s19] =	ssyncadd.s32 @!p0 $0xFFFFF800  }
0x4e: {  	[hbm4b:s3+s17] =	stream.linear.scatter @!p0 [tilespmem:s21], [sflag:$0x2], $0x800, $0x38;
	[tilespmem:$0x1900] =	vst v63  }
0x4f: {  	_ =	swait.ge @!p0 [sflag:s14], $0x800  }
0x50: {  	[sflag:s14] =	ssyncset.done @!p0 $0x0  }
.LBB2_3:
0x51: {  	p2 =	por p0, !p2  }
0x52: {  	s9 =	simm.s32 @!p1 $0x0;
	s10 =	simm.s32 @!p1 $0x2;
	[sflag:s14] =	ssyncadd.s32 @!p2 $0xFFFFF800  }
0x53: {  	[tilespmem:s9], [sflag:$0x2] =	stream.linear.gather @!p1 [hbm4b:s8+s9], $0x80, $0x38;
	[tilespmem:$0x1900] =	vst v63  }
0x54: {  	_ =	swait.ge @!p1 [sflag:s10], $0x80  }
0x55: {  	[sflag:s10] =	ssyncset.done @!p1 $0x0  }
0x56: {  	[sflag:s10] =	ssyncadd.s32 @!p1 $0xFFFFFF80  }
0x57: {  	v0 =	vld.msk @!p1 [tilespmem:$0x0], $0x1;
	_ =	sdelay $0x4  }
0x58: {  	v1 =	vshll.u32 @!p1 v0, $0x5  }
0x59: {  	v0 =	vand.u32 @!p1 $0x7, v0;
	v1 =	vand.u32 @!p1 $0xFFFFFF00, v1  }
0x5a: {  	v2 =	vlaneseq.u32 @!p1;
	v0 =	vor.u32 @!p1 v0, v1;
	v1 =	vimm.s32 @!p1 $0x0  }
0x5b: {  	v0 =	vperm.xlane @!p1 v0, v1;
	v1 =	vmul.u32 @!p1 $0x8, v2;
	_ =	sdelay $0x1  }
0x5c: {  	v0 =	vadd.s32 @!p1 v1, v0;
	_ =	sdelay $0x3  }
0x5d: {  	s8 =	simm.s32 @!p1 $0x100  }
0x5e: {  	[tilespmem:s8], [sflag:$0x1] =	stream.indirect_vreg.gather @!p1 [hbm4b:s5+s9], $0x80, v0, vm0, $0xb8;
	[tilespmem:$0x1900] =	vst v63  }
0x5f: {  	s11 =	simm.s32 @!p1 $0x1;
	s5 =	simm.s32 @!p1 $0x900  }
0x60: {  	[tilespmem:s5], [sflag:$0x1] =	stream.indirect_vreg.gather @!p1 [hbm4b:s7+s9], $0x80, v0, vm0, $0xb8;
	[tilespmem:$0x1900] =	vst v63  }
0x61: {  	_ =	swait.ge @!p1 [sflag:s11], $0x1000  }
0x62: {  	[sflag:s11] =	ssyncset.done @!p1 $0x0  }
0x63: {  	s5 =	simm.s32 @!p1 $0x80;
	s7 =	simm.s32 @!p1 $0x400;
	[sflag:s11] =	ssyncadd.s32 @!p1 $0xFFFFF000  }
0x64: {  	[hbm4b:s6+s5] =	stream.strided.scatter @!p1 [tilespmem:s8], [sflag:$0x2], $0x1000, s7, s5, $0x38;
	[tilespmem:$0x1900] =	vst v63  }
0x65: {  	_ =	swait.ge @!p1 [sflag:s10], $0x1000  }
0x66: {  	s5 =	simm.s32 @!p0 $0x2;
	[sflag:s10] =	ssyncset.done @!p1 $0x0  }
0x67: {  	s6 =	simm.s32 @!p0 $0x0;
	s7 =	simm.s32 @!p0 $0x80;
	[sflag:s10] =	ssyncadd.s32 @!p1 $0xFFFFF000  }
0x68: {  	[tilespmem:s7], [sflag:$0x2] =	stream.linear.gather @!p0 [hbm4b:s4+s6], $0x80, $0x38;
	[tilespmem:$0x1900] =	vst v63  }
0x69: {  	_ =	swait.ge @!p0 [sflag:s5], $0x80  }
0x6a: {  	s9 =	simm.s32 @!p0 $0x1100;
	[sflag:s5] =	ssyncset.done @!p0 $0x0  }
0x6b: {  	s8 =	simm.s32 @!p0 $0x10;
	s4 =	simm.s32 @!p0 $0x1;
	[sflag:s5] =	ssyncadd.s32 @!p0 $0xFFFFFF80  }
0x6c: {  	[tilespmem:s9], [sflag:$0x1] =	stream.indirect.gather @!p0 [hbm4b:s2+s8], $0x80, s7, s8, $0xb8;
	[tilespmem:$0x1900] =	vst v63  }
0x6d: {  	_ =	swait.ge @!p0 [sflag:s4], $0x800  }
0x6e: {  	[sflag:s4] =	ssyncset.done @!p0 $0x0  }
0x6f: {  	[sflag:s4] =	ssyncadd.s32 @!p0 $0xFFFFF800  }
0x70: {  	[hbm4b:s3+s6] =	stream.linear.scatter @!p0 [tilespmem:s9], [sflag:$0x2], $0x800, $0x38;
	[tilespmem:$0x1900] =	vst v63  }
0x71: {  	_ =	swait.ge @!p0 [sflag:s5], $0x800  }
0x72: {  	[sflag:s5] =	ssyncset.done @!p0 $0x0  }
0x73: {  	[sflag:s5] =	ssyncadd.s32 @!p0 $0xFFFFF800  }
0x74: {  	_ =	sfence.sel $0x180000  }
0x75: {  	[bflag:$0x0] =	sbarrier.arrive $0xFFFF  }
0x76: {  	p0 =	sne.s32 s0, $0x0;
	_ =	strace $0x90000047  }
0x77: {  	s0 =	sadd.s32 @!p0 $0x100000, s1;
	[bflag:$0x2] =	sbarrier.arrive $0xFFFF  }
0x78: {  	[sflag:s0] =	ssyncadd.tile.s32 @!p0 $0x1;
	_ =	shalt  }
.Lfunc_end2:
_tile_overlayer_lowered:
.L_overlay_start_2:
0x79: {  	(tag) =	ssettag $0x2  }
0x7a: {  	s0 =	rddreg [dreg:$0x0];
	s2 =	stileid.u32  }
0x7b: {  	s1 =	rddreg [dreg:$0x1];
	p0 =	sne.s32 s2, $0x0  }
0x7c: {  	s3 =	rddreg [dreg:$0x2];
	[bflag:$0x3] =	sbarrier.arrive $0xFFFF;
	s2 =	simm.s32 @!p0 $0x1C02  }
0x7d: {  	[timem:s3], [sflag:s2] =	dma.local @!p0 [hbm:s0], s1  }
0x7e: {  	s0 =	simm.s32 @!p0 $0x2  }
0x7f: {  	_ =	swait.ge @!p0 [sflag:s0], s1  }
0x80: {  	s1 =	ssub.s32 @!p0 $0x0, s1;
	[sflag:s0] =	ssyncset.done @!p0 $0x0  }
0x81: {  	[sflag:s0] =	ssyncadd.s32 @!p0 s1  }
0x82: {  	[bflag:$0x3] =	sbarrier.arrive $0xFFFF  }
0x83: {  	_ =	shalt  }

</sc_bundles>
